<compile_context>
chip_gen: v7x
topology: tpu7x:2x2x1
jax: 0.10.2.dev20260603
libtpu: 0.0.44.dev20260713+nightly
codegen_flags: <defaults>
</compile_context>

<pallas_src>
import jax
import jax.numpy as jnp
from jax import lax
from jax.experimental import pallas as pl
from jax.experimental.pallas import tpu as pltpu
from jax.experimental.pallas import tpu_sc as plsc

_N = 240
_NC, _NS = 2, 16
_NG = _N // 8
_RPW = 2 * 8 * 128
_L = 16


def _mbuild(eflat_hbm, out_hbm, eflat_v, acc_v):
    cid = lax.axis_index("c")
    sid = lax.axis_index("s")
    wid = cid * _NS + sid
    lo = wid * _RPW
    ep = eflat_v.shape[0]
    pltpu.sync_copy(eflat_hbm, eflat_v)

    nacc = acc_v.shape[0]

    def _zero(i, carry):
        acc_v[pl.ds(i * _L, _L)] = jnp.zeros((_L,), jnp.float32)
        return carry

    lax.fori_loop(0, nacc // _L, _zero, 0, unroll=8)

    ones = jnp.full((_L,), 1.0, jnp.float32)

    def _scatter(i, carry):
        v = eflat_v[pl.ds(i * _L, _L)]
        local = v - lo
        mask = (local >= 0) & (local < _RPW)
        idx = jnp.where(mask, local, _RPW)
        plsc.addupdate_scatter(acc_v, [idx], ones)
        return carry

    lax.fori_loop(0, ep // _L, _scatter, 0, unroll=4)

    @pl.when(wid < _NG)
    def _out():
        pltpu.sync_copy(acc_v.at[pl.ds(0, _RPW)], out_hbm.at[pl.ds(lo, _RPW)])


def _build_m_tiled(edge_index):
    ne = edge_index.shape[1]
    s, d = edge_index[0], edge_index[1]
    tflat = (d >> 3) * _RPW + (s >> 7) * 1024 + (d & 7) * 128 + (s & 127)
    ep = ((ne + _L - 1) // _L) * _L
    tflat = jnp.pad(tflat, ((0, ep - ne)), constant_values=_NG * _RPW)
    mesh = plsc.VectorSubcoreMesh(core_axis_name="c", subcore_axis_name="s")
    out = pl.kernel(
        _mbuild,
        out_type=jax.ShapeDtypeStruct((_NG * _RPW,), jnp.float32),
        mesh=mesh,
        compiler_params=pltpu.CompilerParams(needs_layout_passes=False),
        scratch_types=[
            pltpu.VMEM((ep,), jnp.int32),
            pltpu.VMEM((_RPW + _L,), jnp.float32),
        ],
    )(tflat)
    return out.reshape(_NG, 2, 8, 128)


_BP = 8


def _step(mp_ref, inp_ref, st_ref, wgs_ref, wgi_ref, asrc_ref,
          adst_ref, bg_ref, w1ir_ref, w1hr_ref, w1iu_ref, w1hu_ref,
          b1r_ref, b1u_ref, w2i_ref, w2h_ref, b2_ref, out_ref, m_scr):
    b = pl.program_id(0)
    f32 = jnp.float32

    @pl.when(b == 0)
    def _build_m():
        left = mp_ref[:, 0].reshape(_N, 128)
        right = mp_ref[:, 1].reshape(_N, 128)
        row = lax.broadcasted_iota(jnp.int32, (_N, 128), 0)
        col = lax.broadcasted_iota(jnp.int32, (_N, 128), 1)
        m_scr[:, 0:128] = left + (row == col).astype(f32)
        m_scr[:, 128:_N] = (right + (row == col + 128).astype(f32))[:, 0:_N - 128]

    nf = inp_ref.shape[2]
    nu = st_ref.shape[2]
    inp = inp_ref[...].reshape(_BP * _N, nf).astype(f32)
    st = st_ref[...].reshape(_BP * _N, nu).astype(f32)
    h = (jnp.dot(st, wgs_ref[...], preferred_element_type=f32)
         + jnp.dot(inp, wgi_ref[...], preferred_element_type=f32))
    a_d = jnp.dot(h, adst_ref[...], preferred_element_type=f32)
    m = m_scr[...]
    s2parts = []
    for j in range(_BP):
        hj = h[j * _N:(j + 1) * _N]
        a_s = lax.dot_general(asrc_ref[...], hj, (((1,), (1,)), ((), ())),
                              preferred_element_type=f32)
        e = a_d[j * _N:(j + 1) * _N] + a_s
        e = jnp.where(e >= 0, e, 0.2 * e)
        p = m * jnp.exp(e)
        denom = jnp.sum(p, axis=1, keepdims=True)
        t = jnp.dot(p, hj, preferred_element_type=f32)
        s2parts.append(t / (denom + 1e-16))
    s2 = jnp.concatenate(s2parts, axis=0) + bg_ref[...]
    r = jax.nn.sigmoid(jnp.dot(inp, w1ir_ref[...], preferred_element_type=f32)
                       + jnp.dot(s2, w1hr_ref[...], preferred_element_type=f32)
                       + b1r_ref[...])
    u = jax.nn.sigmoid(jnp.dot(inp, w1iu_ref[...], preferred_element_type=f32)
                       + jnp.dot(s2, w1hu_ref[...], preferred_element_type=f32)
                       + b1u_ref[...])
    c = jnp.tanh(jnp.dot(inp, w2i_ref[...], preferred_element_type=f32)
                 + jnp.dot(r * s2, w2h_ref[...], preferred_element_type=f32)
                 + b2_ref[...])
    out_ref[...] = (u * s2 + (1.0 - u) * c).astype(jnp.bfloat16).reshape(
        _BP, _N, nu)


def kernel(inputs, state, edge_index, W_gat, att_src, att_dst, b_gat, bias1,
           W1, b1, W2, b2):
    B = inputs.shape[0]
    U = att_src.shape[0]
    F = W_gat.shape[0] - U
    N = _N

    mp = _build_m_tiled(edge_index)

    inp3 = inputs.astype(jnp.bfloat16).reshape(B, N, F)
    st3 = state.astype(jnp.bfloat16).reshape(B, N, U)

    wgs = W_gat[:U]
    wgi = W_gat[U:]
    asrc = att_src.reshape(1, U)
    adst = att_dst.reshape(U, 1)
    bg = (b_gat + bias1).reshape(1, U)
    w1ir, w1iu = W1[:F, :U], W1[:F, U:]
    w1hr, w1hu = W1[F:, :U], W1[F:, U:]
    b1r, b1u = b1[:U].reshape(1, U), b1[U:].reshape(1, U)
    w2i, w2h = W2[:F], W2[F:]
    b2r = b2.reshape(1, U)

    def cmap(*shape):
        return pl.BlockSpec(shape, lambda b: (0,) * len(shape))

    out = pl.pallas_call(
        _step,
        grid=(B // _BP,),
        in_specs=[
            cmap(_NG, 2, 8, 128),
            pl.BlockSpec((_BP, N, F), lambda b: (b, 0, 0)),
            pl.BlockSpec((_BP, N, U), lambda b: (b, 0, 0)),
            cmap(U, U), cmap(F, U), cmap(1, U), cmap(U, 1), cmap(1, U),
            cmap(F, U), cmap(U, U), cmap(F, U), cmap(U, U),
            cmap(1, U), cmap(1, U), cmap(F, U), cmap(U, U), cmap(1, U),
        ],
        out_specs=pl.BlockSpec((_BP, N, U), lambda b: (b, 0, 0)),
        out_shape=jax.ShapeDtypeStruct((B, N, U), jnp.bfloat16),
        scratch_shapes=[pltpu.VMEM((N, N), jnp.float32)],
    )(mp, inp3, st3, wgs, wgi, asrc, adst, bg,
      w1ir, w1hr, w1iu, w1hu, b1r, b1u, w2i, w2h, b2r)
    return out.reshape(B, N * U).astype(jnp.float32)

# --- scband reference (transcript-rebuilt; emitter-appended) ---
"""Pipeline reference for scband-graph-grucell-38302518346045 (READ-ONLY COPY).

The authoritative reference and input builder live on the scoring server;
editing this copy changes nothing except your own understanding.
"""

import jax, jax.numpy as jnp
import numpy as np

NUM_NODES = 240
NUM_UNITS = 100
FEAT = 100  # feature_num global in the original code
BATCH = 32
N_EDGES = 4338


def setup_inputs(seed: int = 0) -> dict:
    key = jax.random.key(seed)
    ks = jax.random.split(key, 12)
    inputs = jax.random.normal(ks[0], (BATCH, NUM_NODES * FEAT), dtype=jnp.float32)
    state = jax.random.normal(ks[1], (BATCH, NUM_NODES * NUM_UNITS), dtype=jnp.float32)
    edge_index = jax.random.randint(ks[2], (2, N_EDGES), 0, NUM_NODES, dtype=jnp.int32)
    # GATConv(200 -> 100) params
    W_gat = jax.random.normal(ks[3], (FEAT + NUM_UNITS, NUM_UNITS), dtype=jnp.float32) * (2.0 / (300.0)) ** 0.5
    att_src = jax.random.normal(ks[4], (NUM_UNITS,), dtype=jnp.float32) * 0.1
    att_dst = jax.random.normal(ks[5], (NUM_UNITS,), dtype=jnp.float32) * 0.1
    b_gat = jnp.zeros((NUM_UNITS,), dtype=jnp.float32)
    # bias_1 from init_params (constant 0)
    bias1 = jnp.zeros((NUM_UNITS,), dtype=jnp.float32)
    # GRULinear(100, 200): weights (100+feature_num, 200)
    W1 = jax.random.normal(ks[6], (NUM_UNITS + FEAT, 2 * NUM_UNITS), dtype=jnp.float32) * (2.0 / 400.0) ** 0.5
    b1 = jnp.zeros((2 * NUM_UNITS,), dtype=jnp.float32)
    # GRULinear(100, 100)
    W2 = jax.random.normal(ks[7], (NUM_UNITS + FEAT, NUM_UNITS), dtype=jnp.float32) * (2.0 / 300.0) ** 0.5
    b2 = jnp.zeros((NUM_UNITS,), dtype=jnp.float32)
    return {"inputs": inputs, "state": state, "edge_index": edge_index,
            "W_gat": W_gat, "att_src": att_src, "att_dst": att_dst, "b_gat": b_gat,
            "bias1": bias1, "W1": W1, "b1": b1, "W2": W2, "b2": b2}


def _gat(x, edge_index, W_gat, att_src, att_dst, b_gat):
    # single-head GATConv with self-loops (PyG defaults), x: (N, 200)
    h = x @ W_gat  # (N, 100)
    loop = jnp.arange(NUM_NODES, dtype=edge_index.dtype)
    s = jnp.concatenate([edge_index[0], loop])
    d = jnp.concatenate([edge_index[1], loop])
    a_s = h @ att_src  # (N,)
    a_d = h @ att_dst
    e = jax.nn.leaky_relu(a_s[s] + a_d[d], negative_slope=0.2)
    e_max = jax.ops.segment_max(e, d, num_segments=NUM_NODES)
    e = jnp.exp(e - e_max[d])
    denom = jax.ops.segment_sum(e, d, num_segments=NUM_NODES)
    alpha = e / (denom[d] + 1e-16)
    out = jax.ops.segment_sum(alpha[:, None] * h[s], d, num_segments=NUM_NODES)
    return out + b_gat


def _gru_linear(inputs, hidden, W, b, units):
    B = hidden.shape[0]
    i = inputs.reshape(B, NUM_NODES, FEAT)
    h = hidden.reshape(B, NUM_NODES, units)
    cat = jnp.concatenate([i, h], axis=2).reshape(-1, units + FEAT)
    out = cat @ W + b
    return out.reshape(B, NUM_NODES, W.shape[1])


def reference(inputs, state, edge_index, W_gat, att_src, att_dst, b_gat, bias1, W1, b1, W2, b2):
    B = state.shape[0]
    # _gc3: concat(state, inputs) per node, GATConv per batch element, add bias_1
    st = state.reshape(B, NUM_NODES, NUM_UNITS)
    inp = inputs.reshape(B, NUM_NODES, FEAT)
    xs = jnp.concatenate([st, inp], axis=2)  # (B, N, 200)
    x1 = jax.vmap(lambda x: _gat(x, edge_index, W_gat, att_src, att_dst, b_gat))(xs)
    x1 = x1 + bias1
    state2 = x1.reshape(B, NUM_NODES * NUM_UNITS)
    # GRU gates
    value = jax.nn.sigmoid(_gru_linear(inputs, state2, W1, b1, NUM_UNITS))  # (B, N, 200)
    r = value[:, :, :NUM_UNITS].reshape(B, NUM_NODES * NUM_UNITS)
    u = value[:, :, NUM_UNITS:].reshape(B, NUM_NODES * NUM_UNITS)
    c = jnp.tanh(_gru_linear(inputs, r * state2, W2, b2, NUM_UNITS))
    c = c.reshape(B, NUM_NODES * NUM_UNITS)
    new_state = u * state2 + (1.0 - u) * c
    return new_state

if __name__ == "__main__":
    import jax
    _d = setup_inputs()
    print(jax.jit(kernel)(*tuple(_d.values())))

</pallas_src>

<mosaic_0001>
#map = affine_map<(d0, d1) -> (0)>
module attributes {stable_mosaic.version = 14 : i64} {
  func.func @_mbuild(%arg0: i32, %arg1: i32, %arg2: memref<4352xi32, #tpu.memory_space<hbm>>, %arg3: memref<61440xf32, #tpu.memory_space<hbm>>, %arg4: memref<4352xi32, #tpu.memory_space<vmem>>, %arg5: memref<2064xf32, #tpu.memory_space<vmem>>) attributes {dimension_semantics = [#tpu.dimension_semantics<core_parallel>, #tpu.dimension_semantics<subcore_parallel>], iteration_bounds = array<i64: 2, 16>, scalar_prefetch = 0 : i64, scratch_operands = 2 : i64, tpu.core_type = #tpu.core_type<sc_vector_subcore>, window_params = [{transform_indices = #map}, {transform_indices = #map}]} {
    %mul3A = arith.constant 16 : i32
    %mul3A_0 = arith.muli %arg0, %mul3A : i32
    %add3A = arith.addi %mul3A_0, %arg1 : i32
    %mul3A_1 = arith.constant 2048 : i32
    %mul3A_2 = arith.muli %add3A, %mul3A_1 : i32
    "tpu.region"() ({
      %run_scoped3A = tpu.sem_alloc : memref<!tpu.dma_semaphore, #tpu.memory_space<semaphore_mem>>
      tpu.enqueue_dma source(%arg2 : memref<4352xi32, #tpu.memory_space<hbm>>) target(%arg4 : memref<4352xi32, #tpu.memory_space<vmem>>) target_semaphore(%run_scoped3A : memref<!tpu.dma_semaphore, #tpu.memory_space<semaphore_mem>>)
      tpu.wait_dma2 semaphore(%run_scoped3A : memref<!tpu.dma_semaphore, #tpu.memory_space<semaphore_mem>>) src(%arg2 : memref<4352xi32, #tpu.memory_space<hbm>>) dst(%arg4 : memref<4352xi32, #tpu.memory_space<vmem>>)
      tpu.yield
    }) : () -> ()
    %scan3A = arith.constant 0 : i32
    %scan3A_3 = arith.constant 0 : i32
    %scan3A_4 = arith.constant 128 : i32
    %scan3A_5 = arith.addi %scan3A_3, %scan3A_4 : i32
    %scan3A_6 = arith.constant 8 : i32
    scf.for %scan3A_24 = %scan3A_3 to %scan3A_5 step %scan3A_6  : i32 {
      %broadcast_in_dim3A_25 = arith.constant 0.000000e+00 : f32
      %broadcast_in_dim3A_26 = vector.broadcast %broadcast_in_dim3A_25 : f32 to vector<16xf32>
      %mul3A_27 = arith.constant 16 : i32
      %mul3A_28 = arith.muli %scan3A_24, %mul3A_27 : i32
      %swap3A_29 = arith.index_cast %mul3A_28 : i32 to index
      %swap3A_30 = tpu.vector_load %arg5[%swap3A_29] {strides = array<i32>} : memref<2064xf32, #tpu.memory_space<vmem>>, vector<16xf32>,
      tpu.vector_store %arg5[%swap3A_29], %broadcast_in_dim3A_26 {strides = array<i32>} : memref<2064xf32, #tpu.memory_space<vmem>>, vector<16xf32>,
      %scan3A_31 = arith.constant 1 : i32
      %scan3A_32 = arith.addi %scan3A_24, %scan3A_31 : i32
      %broadcast_in_dim3A_33 = arith.constant 0.000000e+00 : f32
      %broadcast_in_dim3A_34 = vector.broadcast %broadcast_in_dim3A_33 : f32 to vector<16xf32>
      %mul3A_35 = arith.constant 16 : i32
      %mul3A_36 = arith.muli %scan3A_32, %mul3A_35 : i32
      %swap3A_37 = arith.index_cast %mul3A_36 : i32 to index
      %swap3A_38 = tpu.vector_load %arg5[%swap3A_37] {strides = array<i32>} : memref<2064xf32, #tpu.memory_space<vmem>>, vector<16xf32>,
      tpu.vector_store %arg5[%swap3A_37], %broadcast_in_dim3A_34 {strides = array<i32>} : memref<2064xf32, #tpu.memory_space<vmem>>, vector<16xf32>,
      %scan3A_39 = arith.constant 2 : i32
      %scan3A_40 = arith.addi %scan3A_24, %scan3A_39 : i32
      %broadcast_in_dim3A_41 = arith.constant 0.000000e+00 : f32
      %broadcast_in_dim3A_42 = vector.broadcast %broadcast_in_dim3A_41 : f32 to vector<16xf32>
      %mul3A_43 = arith.constant 16 : i32
      %mul3A_44 = arith.muli %scan3A_40, %mul3A_43 : i32
      %swap3A_45 = arith.index_cast %mul3A_44 : i32 to index
      %swap3A_46 = tpu.vector_load %arg5[%swap3A_45] {strides = array<i32>} : memref<2064xf32, #tpu.memory_space<vmem>>, vector<16xf32>,
      tpu.vector_store %arg5[%swap3A_45], %broadcast_in_dim3A_42 {strides = array<i32>} : memref<2064xf32, #tpu.memory_space<vmem>>, vector<16xf32>,
      %scan3A_47 = arith.constant 3 : i32
      %scan3A_48 = arith.addi %scan3A_24, %scan3A_47 : i32
      %broadcast_in_dim3A_49 = arith.constant 0.000000e+00 : f32
      %broadcast_in_dim3A_50 = vector.broadcast %broadcast_in_dim3A_49 : f32 to vector<16xf32>
      %mul3A_51 = arith.constant 16 : i32
      %mul3A_52 = arith.muli %scan3A_48, %mul3A_51 : i32
      %swap3A_53 = arith.index_cast %mul3A_52 : i32 to index
      %swap3A_54 = tpu.vector_load %arg5[%swap3A_53] {strides = array<i32>} : memref<2064xf32, #tpu.memory_space<vmem>>, vector<16xf32>,
      tpu.vector_store %arg5[%swap3A_53], %broadcast_in_dim3A_50 {strides = array<i32>} : memref<2064xf32, #tpu.memory_space<vmem>>, vector<16xf32>,
      %scan3A_55 = arith.constant 4 : i32
      %scan3A_56 = arith.addi %scan3A_24, %scan3A_55 : i32
      %broadcast_in_dim3A_57 = arith.constant 0.000000e+00 : f32
      %broadcast_in_dim3A_58 = vector.broadcast %broadcast_in_dim3A_57 : f32 to vector<16xf32>
      %mul3A_59 = arith.constant 16 : i32
      %mul3A_60 = arith.muli %scan3A_56, %mul3A_59 : i32
      %swap3A_61 = arith.index_cast %mul3A_60 : i32 to index
      %swap3A_62 = tpu.vector_load %arg5[%swap3A_61] {strides = array<i32>} : memref<2064xf32, #tpu.memory_space<vmem>>, vector<16xf32>,
      tpu.vector_store %arg5[%swap3A_61], %broadcast_in_dim3A_58 {strides = array<i32>} : memref<2064xf32, #tpu.memory_space<vmem>>, vector<16xf32>,
      %scan3A_63 = arith.constant 5 : i32
      %scan3A_64 = arith.addi %scan3A_24, %scan3A_63 : i32
      %broadcast_in_dim3A_65 = arith.constant 0.000000e+00 : f32
      %broadcast_in_dim3A_66 = vector.broadcast %broadcast_in_dim3A_65 : f32 to vector<16xf32>
      %mul3A_67 = arith.constant 16 : i32
      %mul3A_68 = arith.muli %scan3A_64, %mul3A_67 : i32
      %swap3A_69 = arith.index_cast %mul3A_68 : i32 to index
      %swap3A_70 = tpu.vector_load %arg5[%swap3A_69] {strides = array<i32>} : memref<2064xf32, #tpu.memory_space<vmem>>, vector<16xf32>,
      tpu.vector_store %arg5[%swap3A_69], %broadcast_in_dim3A_66 {strides = array<i32>} : memref<2064xf32, #tpu.memory_space<vmem>>, vector<16xf32>,
      %scan3A_71 = arith.constant 6 : i32
      %scan3A_72 = arith.addi %scan3A_24, %scan3A_71 : i32
      %broadcast_in_dim3A_73 = arith.constant 0.000000e+00 : f32
      %broadcast_in_dim3A_74 = vector.broadcast %broadcast_in_dim3A_73 : f32 to vector<16xf32>
      %mul3A_75 = arith.constant 16 : i32
      %mul3A_76 = arith.muli %scan3A_72, %mul3A_75 : i32
      %swap3A_77 = arith.index_cast %mul3A_76 : i32 to index
      %swap3A_78 = tpu.vector_load %arg5[%swap3A_77] {strides = array<i32>} : memref<2064xf32, #tpu.memory_space<vmem>>, vector<16xf32>,
      tpu.vector_store %arg5[%swap3A_77], %broadcast_in_dim3A_74 {strides = array<i32>} : memref<2064xf32, #tpu.memory_space<vmem>>, vector<16xf32>,
      %scan3A_79 = arith.constant 7 : i32
      %scan3A_80 = arith.addi %scan3A_24, %scan3A_79 : i32
      %broadcast_in_dim3A_81 = arith.constant 0.000000e+00 : f32
      %broadcast_in_dim3A_82 = vector.broadcast %broadcast_in_dim3A_81 : f32 to vector<16xf32>
      %mul3A_83 = arith.constant 16 : i32
      %mul3A_84 = arith.muli %scan3A_80, %mul3A_83 : i32
      %swap3A_85 = arith.index_cast %mul3A_84 : i32 to index
      %swap3A_86 = tpu.vector_load %arg5[%swap3A_85] {strides = array<i32>} : memref<2064xf32, #tpu.memory_space<vmem>>, vector<16xf32>,
      tpu.vector_store %arg5[%swap3A_85], %broadcast_in_dim3A_82 {strides = array<i32>} : memref<2064xf32, #tpu.memory_space<vmem>>, vector<16xf32>,
    }
    %scan3A_7 = arith.constant 128 : i32
    %scan3A_8 = arith.addi %scan3A_3, %scan3A_7 : i32
    %broadcast_in_dim3A = arith.constant 0.000000e+00 : f32
    %broadcast_in_dim3A_9 = vector.broadcast %broadcast_in_dim3A : f32 to vector<16xf32>
    %mul3A_10 = arith.constant 16 : i32
    %mul3A_11 = arith.muli %scan3A_8, %mul3A_10 : i32
    %swap3A = arith.index_cast %mul3A_11 : i32 to index
    %swap3A_12 = tpu.vector_load %arg5[%swap3A] {strides = array<i32>} : memref<2064xf32, #tpu.memory_space<vmem>>, vector<16xf32>,
    tpu.vector_store %arg5[%swap3A], %broadcast_in_dim3A_9 {strides = array<i32>} : memref<2064xf32, #tpu.memory_space<vmem>>, vector<16xf32>,
    %scan3A_13 = arith.constant 129 : i32
    %broadcast_in_dim3A_14 = arith.constant 1.000000e+00 : f32
    %broadcast_in_dim3A_15 = vector.broadcast %broadcast_in_dim3A_14 : f32 to vector<16xf32>
    %scan3A_16 = arith.constant 0 : i32
    %scan3A_17 = arith.constant 0 : i32
    %scan3A_18 = arith.constant 272 : i32
    %scan3A_19 = arith.addi %scan3A_17, %scan3A_18 : i32
    %scan3A_20 = arith.constant 4 : i32
    scf.for %scan3A_24 = %scan3A_17 to %scan3A_19 step %scan3A_20  : i32 {
      %mul3A_25 = arith.constant 16 : i32
      %mul3A_26 = arith.muli %scan3A_24, %mul3A_25 : i32
      %get3A = arith.index_cast %mul3A_26 : i32 to index
      %get3A_27 = tpu.vector_load %arg4[%get3A] {strides = array<i32>} : memref<4352xi32, #tpu.memory_space<vmem>>, vector<16xi32>,
      %sub3A = vector.broadcast %mul3A_2 : i32 to vector<16xi32>
      %sub3A_28 = arith.subi %get3A_27, %sub3A : vector<16xi32>
      %ge3A = arith.constant 0 : i32
      %ge3A_29 = vector.broadcast %ge3A : i32 to vector<16xi32>
      %ge3A_30 = arith.cmpi sge, %sub3A_28, %ge3A_29 : vector<16xi32>
      %lt3A_31 = arith.constant 2048 : i32
      %lt3A_32 = vector.broadcast %lt3A_31 : i32 to vector<16xi32>
      %lt3A_33 = arith.cmpi slt, %sub3A_28, %lt3A_32 : vector<16xi32>
      %and3A = arith.andi %ge3A_30, %lt3A_33 : vector<16xi1>
      %jit3A = arith.constant 2048 : i32
      %broadcast_in_dim3A_34 = vector.broadcast %jit3A : i32 to vector<16xi32>
      %select_n3A = arith.select %and3A, %sub3A_28, %broadcast_in_dim3A_34 : vector<16xi1>, vector<16xi32>
      tpu.vector_store_idx %arg5[%select_n3A], %broadcast_in_dim3A_15 {add = true} : memref<2064xf32, #tpu.memory_space<vmem>>[vector<16xi32>], vector<16xf32>,
      %scan3A_35 = arith.constant 1 : i32
      %scan3A_36 = arith.addi %scan3A_24, %scan3A_35 : i32
      %mul3A_37 = arith.constant 16 : i32
      %mul3A_38 = arith.muli %scan3A_36, %mul3A_37 : i32
      %get3A_39 = arith.index_cast %mul3A_38 : i32 to index
      %get3A_40 = tpu.vector_load %arg4[%get3A_39] {strides = array<i32>} : memref<4352xi32, #tpu.memory_space<vmem>>, vector<16xi32>,
      %sub3A_41 = vector.broadcast %mul3A_2 : i32 to vector<16xi32>
      %sub3A_42 = arith.subi %get3A_40, %sub3A_41 : vector<16xi32>
      %ge3A_43 = arith.constant 0 : i32
      %ge3A_44 = vector.broadcast %ge3A_43 : i32 to vector<16xi32>
      %ge3A_45 = arith.cmpi sge, %sub3A_42, %ge3A_44 : vector<16xi32>
      %lt3A_46 = arith.constant 2048 : i32
      %lt3A_47 = vector.broadcast %lt3A_46 : i32 to vector<16xi32>
      %lt3A_48 = arith.cmpi slt, %sub3A_42, %lt3A_47 : vector<16xi32>
      %and3A_49 = arith.andi %ge3A_45, %lt3A_48 : vector<16xi1>
      %jit3A_50 = arith.constant 2048 : i32
      %broadcast_in_dim3A_51 = vector.broadcast %jit3A_50 : i32 to vector<16xi32>
      %select_n3A_52 = arith.select %and3A_49, %sub3A_42, %broadcast_in_dim3A_51 : vector<16xi1>, vector<16xi32>
      tpu.vector_store_idx %arg5[%select_n3A_52], %broadcast_in_dim3A_15 {add = true} : memref<2064xf32, #tpu.memory_space<vmem>>[vector<16xi32>], vector<16xf32>,
      %scan3A_53 = arith.constant 2 : i32
      %scan3A_54 = arith.addi %scan3A_24, %scan3A_53 : i32
      %mul3A_55 = arith.constant 16 : i32
      %mul3A_56 = arith.muli %scan3A_54, %mul3A_55 : i32
      %get3A_57 = arith.index_cast %mul3A_56 : i32 to index
      %get3A_58 = tpu.vector_load %arg4[%get3A_57] {strides = array<i32>} : memref<4352xi32, #tpu.memory_space<vmem>>, vector<16xi32>,
      %sub3A_59 = vector.broadcast %mul3A_2 : i32 to vector<16xi32>
      %sub3A_60 = arith.subi %get3A_58, %sub3A_59 : vector<16xi32>
      %ge3A_61 = arith.constant 0 : i32
      %ge3A_62 = vector.broadcast %ge3A_61 : i32 to vector<16xi32>
      %ge3A_63 = arith.cmpi sge, %sub3A_60, %ge3A_62 : vector<16xi32>
      %lt3A_64 = arith.constant 2048 : i32
      %lt3A_65 = vector.broadcast %lt3A_64 : i32 to vector<16xi32>
      %lt3A_66 = arith.cmpi slt, %sub3A_60, %lt3A_65 : vector<16xi32>
      %and3A_67 = arith.andi %ge3A_63, %lt3A_66 : vector<16xi1>
      %jit3A_68 = arith.constant 2048 : i32
      %broadcast_in_dim3A_69 = vector.broadcast %jit3A_68 : i32 to vector<16xi32>
      %select_n3A_70 = arith.select %and3A_67, %sub3A_60, %broadcast_in_dim3A_69 : vector<16xi1>, vector<16xi32>
      tpu.vector_store_idx %arg5[%select_n3A_70], %broadcast_in_dim3A_15 {add = true} : memref<2064xf32, #tpu.memory_space<vmem>>[vector<16xi32>], vector<16xf32>,
      %scan3A_71 = arith.constant 3 : i32
      %scan3A_72 = arith.addi %scan3A_24, %scan3A_71 : i32
      %mul3A_73 = arith.constant 16 : i32
      %mul3A_74 = arith.muli %scan3A_72, %mul3A_73 : i32
      %get3A_75 = arith.index_cast %mul3A_74 : i32 to index
      %get3A_76 = tpu.vector_load %arg4[%get3A_75] {strides = array<i32>} : memref<4352xi32, #tpu.memory_space<vmem>>, vector<16xi32>,
      %sub3A_77 = vector.broadcast %mul3A_2 : i32 to vector<16xi32>
      %sub3A_78 = arith.subi %get3A_76, %sub3A_77 : vector<16xi32>
      %ge3A_79 = arith.constant 0 : i32
      %ge3A_80 = vector.broadcast %ge3A_79 : i32 to vector<16xi32>
      %ge3A_81 = arith.cmpi sge, %sub3A_78, %ge3A_80 : vector<16xi32>
      %lt3A_82 = arith.constant 2048 : i32
      %lt3A_83 = vector.broadcast %lt3A_82 : i32 to vector<16xi32>
      %lt3A_84 = arith.cmpi slt, %sub3A_78, %lt3A_83 : vector<16xi32>
      %and3A_85 = arith.andi %ge3A_81, %lt3A_84 : vector<16xi1>
      %jit3A_86 = arith.constant 2048 : i32
      %broadcast_in_dim3A_87 = vector.broadcast %jit3A_86 : i32 to vector<16xi32>
      %select_n3A_88 = arith.select %and3A_85, %sub3A_78, %broadcast_in_dim3A_87 : vector<16xi1>, vector<16xi32>
      tpu.vector_store_idx %arg5[%select_n3A_88], %broadcast_in_dim3A_15 {add = true} : memref<2064xf32, #tpu.memory_space<vmem>>[vector<16xi32>], vector<16xf32>,
    }
    %scan3A_21 = arith.constant 272 : i32
    %lt3A = arith.constant 30 : i32
    %lt3A_22 = arith.cmpi slt, %add3A, %lt3A : i32
    %convert_element_type3A = arith.extui %lt3A_22 : i1 to i32
    %cond3A = arith.constant 0 : i32
    %cond3A_23 = arith.cmpi ne, %convert_element_type3A, %cond3A : i32
    scf.if %cond3A_23 {
      "tpu.region"() ({
        %run_scoped3A = tpu.sem_alloc : memref<!tpu.dma_semaphore, #tpu.memory_space<semaphore_mem>>
        %dma_start3A = arith.constant 0 : i32
        %dma_start3A_24 = tpu.memref_slice %arg5[%dma_start3A] : memref<2064xf32, #tpu.memory_space<vmem>> -> memref<2048xf32, #tpu.memory_space<vmem>>
        %dma_start3A_25 = tpu.memref_slice %arg3[%mul3A_2] : memref<61440xf32, #tpu.memory_space<hbm>> -> memref<2048xf32, #tpu.memory_space<hbm>>
        %dma_start3A_26 = tpu.memref_slice %arg3[%mul3A_2] : memref<61440xf32, #tpu.memory_space<hbm>> -> memref<2048xf32, #tpu.memory_space<hbm>>
        %dma_start3A_27 = arith.constant 0 : i32
        %dma_start3A_28 = tpu.memref_slice %arg5[%dma_start3A_27] : memref<2064xf32, #tpu.memory_space<vmem>> -> memref<2048xf32, #tpu.memory_space<vmem>>
        tpu.enqueue_dma source(%dma_start3A_28 : memref<2048xf32, #tpu.memory_space<vmem>>) target(%dma_start3A_26 : memref<2048xf32, #tpu.memory_space<hbm>>) target_semaphore(%run_scoped3A : memref<!tpu.dma_semaphore, #tpu.memory_space<semaphore_mem>>)
        %dma_wait3A = arith.constant 0 : i32
        %dma_wait3A_29 = tpu.memref_slice %arg5[%dma_wait3A] : memref<2064xf32, #tpu.memory_space<vmem>> -> memref<2048xf32, #tpu.memory_space<vmem>>
        %dma_wait3A_30 = tpu.memref_slice %arg3[%mul3A_2] : memref<61440xf32, #tpu.memory_space<hbm>> -> memref<2048xf32, #tpu.memory_space<hbm>>
        %dma_wait3A_31 = tpu.memref_slice %arg3[%mul3A_2] : memref<61440xf32, #tpu.memory_space<hbm>> -> memref<2048xf32, #tpu.memory_space<hbm>>
        %dma_wait3A_32 = arith.constant 0 : i32
        %dma_wait3A_33 = tpu.memref_slice %arg5[%dma_wait3A_32] : memref<2064xf32, #tpu.memory_space<vmem>> -> memref<2048xf32, #tpu.memory_space<vmem>>
        tpu.wait_dma2 semaphore(%run_scoped3A : memref<!tpu.dma_semaphore, #tpu.memory_space<semaphore_mem>>) src(%dma_wait3A_33 : memref<2048xf32, #tpu.memory_space<vmem>>) dst(%dma_wait3A_31 : memref<2048xf32, #tpu.memory_space<hbm>>)
        tpu.yield
      }) : () -> ()
    } else {
    }
    return
  }
}

module attributes {stable_mosaic.version = 14 : i64} {
  func.func @_step(%arg0: i32, %arg1: memref<30x2x8x128xf32, #tpu.memory_space<vmem>>, %arg2: memref<8x240x100xbf16, #tpu.memory_space<vmem>>, %arg3: memref<8x240x100xbf16, #tpu.memory_space<vmem>>, %arg4: memref<100x100xf32, #tpu.memory_space<vmem>>, %arg5: memref<100x100xf32, #tpu.memory_space<vmem>>, %arg6: memref<1x100xf32, #tpu.memory_space<vmem>>, %arg7: memref<100x1xf32, #tpu.memory_space<vmem>>, %arg8: memref<1x100xf32, #tpu.memory_space<vmem>>, %arg9: memref<100x100xf32, #tpu.memory_space<vmem>>, %arg10: memref<100x100xf32, #tpu.memory_space<vmem>>, %arg11: memref<100x100xf32, #tpu.memory_space<vmem>>, %arg12: memref<100x100xf32, #tpu.memory_space<vmem>>, %arg13: memref<1x100xf32, #tpu.memory_space<vmem>>, %arg14: memref<1x100xf32, #tpu.memory_space<vmem>>, %arg15: memref<100x100xf32, #tpu.memory_space<vmem>>, %arg16: memref<100x100xf32, #tpu.memory_space<vmem>>, %arg17: memref<1x100xf32, #tpu.memory_space<vmem>>, %arg18: memref<8x240x100xbf16, #tpu.memory_space<vmem>>, %arg19: memref<240x240xf32, #tpu.memory_space<vmem>>) attributes {dimension_semantics = [#tpu.dimension_semantics<arbitrary>], iteration_bounds = array<i64: 4>, scalar_prefetch = 0 : i64, scratch_operands = 1 : i64, tpu.core_type = #tpu.core_type<tc>, window_params = [{pipeline_mode = #tpu.pipeline_mode<synchronous>, transform_indices = @transform_0, window_bounds = array<i64: 30, 2, 8, 128>}, {transform_indices = @transform_1, window_bounds = array<i64: 8, 240, 100>}, {transform_indices = @transform_2, window_bounds = array<i64: 8, 240, 100>}, {pipeline_mode = #tpu.pipeline_mode<synchronous>, transform_indices = @transform_3, window_bounds = array<i64: 100, 100>}, {pipeline_mode = #tpu.pipeline_mode<synchronous>, transform_indices = @transform_4, window_bounds = array<i64: 100, 100>}, {pipeline_mode = #tpu.pipeline_mode<synchronous>, transform_indices = @transform_5, window_bounds = array<i64: 1, 100>}, {pipeline_mode = #tpu.pipeline_mode<synchronous>, transform_indices = @transform_6, window_bounds = array<i64: 100, 1>}, {pipeline_mode = #tpu.pipeline_mode<synchronous>, transform_indices = @transform_7, window_bounds = array<i64: 1, 100>}, {pipeline_mode = #tpu.pipeline_mode<synchronous>, transform_indices = @transform_8, window_bounds = array<i64: 100, 100>}, {pipeline_mode = #tpu.pipeline_mode<synchronous>, transform_indices = @transform_9, window_bounds = array<i64: 100, 100>}, {pipeline_mode = #tpu.pipeline_mode<synchronous>, transform_indices = @transform_10, window_bounds = array<i64: 100, 100>}, {pipeline_mode = #tpu.pipeline_mode<synchronous>, transform_indices = @transform_11, window_bounds = array<i64: 100, 100>}, {pipeline_mode = #tpu.pipeline_mode<synchronous>, transform_indices = @transform_12, window_bounds = array<i64: 1, 100>}, {pipeline_mode = #tpu.pipeline_mode<synchronous>, transform_indices = @transform_13, window_bounds = array<i64: 1, 100>}, {pipeline_mode = #tpu.pipeline_mode<synchronous>, transform_indices = @transform_14, window_bounds = array<i64: 100, 100>}, {pipeline_mode = #tpu.pipeline_mode<synchronous>, transform_indices = @transform_15, window_bounds = array<i64: 100, 100>}, {pipeline_mode = #tpu.pipeline_mode<synchronous>, transform_indices = @transform_16, window_bounds = array<i64: 1, 100>}, {transform_indices = @transform_17, window_bounds = array<i64: 8, 240, 100>}]} {
    %eq3A = arith.constant 0 : i32
    %eq3A_0 = arith.cmpi eq, %arg0, %eq3A : i32
    %convert_element_type3A = arith.extui %eq3A_0 : i1 to i32
    %cond3A = arith.constant 0 : i32
    %cond3A_1 = arith.cmpi ne, %convert_element_type3A, %cond3A : i32
    scf.if %cond3A_1 {
      %get3A_328 = arith.constant 0 : index
      %get3A_329 = arith.constant 0 : index
      %get3A_330 = arith.constant 0 : index
      %get3A_331 = arith.constant 0 : index
      %get3A_332 = vector.load %arg1[%get3A_328, %get3A_329, %get3A_330, %get3A_331] : memref<30x2x8x128xf32, #tpu.memory_space<vmem>>, vector<30x1x8x128xf32>
      %get3A_333 = vector.shape_cast %get3A_332 : vector<30x1x8x128xf32> to vector<30x8x128xf32>
      %reshape3A_334 = vector.shape_cast %get3A_333 : vector<30x8x128xf32> to vector<240x128xf32>
      %get3A_335 = arith.constant 0 : index
      %get3A_336 = arith.constant 1 : index
      %get3A_337 = arith.constant 0 : index
      %get3A_338 = arith.constant 0 : index
      %get3A_339 = vector.load %arg1[%get3A_335, %get3A_336, %get3A_337, %get3A_338] : memref<30x2x8x128xf32, #tpu.memory_space<vmem>>, vector<30x1x8x128xf32>
      %get3A_340 = vector.shape_cast %get3A_339 : vector<30x1x8x128xf32> to vector<30x8x128xf32>
      %reshape3A_341 = vector.shape_cast %get3A_340 : vector<30x8x128xf32> to vector<240x128xf32>
      %iota3A = tpu.iota {dimensions = array<i32: 0>} : vector<240x128xi32>
      %iota3A_342 = tpu.iota {dimensions = array<i32: 1>} : vector<240x128xi32>
      %eq3A_343 = arith.cmpi eq, %iota3A, %iota3A_342 : vector<240x128xi32>
      %convert_element_type3A_344 = arith.extui %eq3A_343 : vector<240x128xi1> to vector<240x128xi32>
      %convert_element_type3A_345 = arith.sitofp %convert_element_type3A_344 : vector<240x128xi32> to vector<240x128xf32>
      %add3A_346 = arith.addf %reshape3A_334, %convert_element_type3A_345 : vector<240x128xf32>
      %swap3A_347 = arith.constant 0 : index
      %swap3A_348 = arith.constant 0 : index
      %swap3A_349 = vector.load %arg19[%swap3A_347, %swap3A_348] : memref<240x240xf32, #tpu.memory_space<vmem>>, vector<240x128xf32>
      tpu.vector_store %arg19[%swap3A_347, %swap3A_348], %add3A_346 {strides = array<i32>} : memref<240x240xf32, #tpu.memory_space<vmem>>, vector<240x128xf32>,
      %add3A_350 = arith.constant 128 : i32
      %add3A_351 = vector.broadcast %add3A_350 : i32 to vector<240x128xi32>
      %add3A_352 = arith.addi %iota3A_342, %add3A_351 : vector<240x128xi32>
      %eq3A_353 = arith.cmpi eq, %iota3A, %add3A_352 : vector<240x128xi32>
      %convert_element_type3A_354 = arith.extui %eq3A_353 : vector<240x128xi1> to vector<240x128xi32>
      %convert_element_type3A_355 = arith.sitofp %convert_element_type3A_354 : vector<240x128xi32> to vector<240x128xf32>
      %add3A_356 = arith.addf %reshape3A_341, %convert_element_type3A_355 : vector<240x128xf32>
      %slice3A_357 = vector.extract_strided_slice %add3A_356 {offsets = [0, 0], sizes = [240, 112], strides = [1, 1]} : vector<240x128xf32> to vector<240x112xf32>
      %swap3A_358 = arith.constant 0 : index
      %swap3A_359 = arith.constant 128 : index
      %swap3A_360 = vector.load %arg19[%swap3A_358, %swap3A_359] : memref<240x240xf32, #tpu.memory_space<vmem>>, vector<240x112xf32>
      tpu.vector_store %arg19[%swap3A_358, %swap3A_359], %slice3A_357 {strides = array<i32>} : memref<240x240xf32, #tpu.memory_space<vmem>>, vector<240x112xf32>,
    } else {
    }
    %get3A = arith.constant 0 : index
    %get3A_2 = arith.constant 0 : index
    %get3A_3 = arith.constant 0 : index
    %get3A_4 = vector.load %arg2[%get3A, %get3A_2, %get3A_3] : memref<8x240x100xbf16, #tpu.memory_space<vmem>>, vector<8x240x100xbf16>
    %reshape3A = vector.shape_cast %get3A_4 : vector<8x240x100xbf16> to vector<1920x100xbf16>
    %convert_element_type3A_5 = arith.extf %reshape3A : vector<1920x100xbf16> to vector<1920x100xf32>
    %get3A_6 = arith.constant 0 : index
    %get3A_7 = arith.constant 0 : index
    %get3A_8 = arith.constant 0 : index
    %get3A_9 = vector.load %arg3[%get3A_6, %get3A_7, %get3A_8] : memref<8x240x100xbf16, #tpu.memory_space<vmem>>, vector<8x240x100xbf16>
    %reshape3A_10 = vector.shape_cast %get3A_9 : vector<8x240x100xbf16> to vector<1920x100xbf16>
    %convert_element_type3A_11 = arith.extf %reshape3A_10 : vector<1920x100xbf16> to vector<1920x100xf32>
    %get3A_12 = arith.constant 0 : index
    %get3A_13 = arith.constant 0 : index
    %get3A_14 = vector.load %arg4[%get3A_12, %get3A_13] : memref<100x100xf32, #tpu.memory_space<vmem>>, vector<100x100xf32>
    %dot_general3A = arith.constant dense<0.000000e+00> : vector<1920x100xf32>
    %dot_general3A_15 = tpu.matmul %convert_element_type3A_11, %get3A_14, %dot_general3A {dimension_numbers = #tpu.dot_dimension_numbers<[1], [0], [0], [1], [0, 0, 1, 1], [], []>, transpose_lhs_hint = false} : vector<1920x100xf32>, vector<100x100xf32>, vector<1920x100xf32> -> vector<1920x100xf32>
    %get3A_16 = arith.constant 0 : index
    %get3A_17 = arith.constant 0 : index
    %get3A_18 = vector.load %arg5[%get3A_16, %get3A_17] : memref<100x100xf32, #tpu.memory_space<vmem>>, vector<100x100xf32>
    %dot_general3A_19 = arith.constant dense<0.000000e+00> : vector<1920x100xf32>
    %dot_general3A_20 = tpu.matmul %convert_element_type3A_5, %get3A_18, %dot_general3A_19 {dimension_numbers = #tpu.dot_dimension_numbers<[1], [0], [0], [1], [0, 0, 1, 1], [], []>, transpose_lhs_hint = false} : vector<1920x100xf32>, vector<100x100xf32>, vector<1920x100xf32> -> vector<1920x100xf32>
    %add3A = arith.addf %dot_general3A_15, %dot_general3A_20 : vector<1920x100xf32>
    %get3A_21 = arith.constant 0 : index
    %get3A_22 = arith.constant 0 : index
    %get3A_23 = vector.load %arg7[%get3A_21, %get3A_22] : memref<100x1xf32, #tpu.memory_space<vmem>>, vector<100x1xf32>
    %dot_general3A_24 = arith.constant dense<0.000000e+00> : vector<1920x1xf32>
    %dot_general3A_25 = tpu.matmul %add3A, %get3A_23, %dot_general3A_24 {dimension_numbers = #tpu.dot_dimension_numbers<[1], [0], [0], [1], [0, 0, 1, 1], [], []>, transpose_lhs_hint = false} : vector<1920x100xf32>, vector<100x1xf32>, vector<1920x1xf32> -> vector<1920x1xf32>
    %get3A_26 = arith.constant 0 : index
    %get3A_27 = arith.constant 0 : index
    %get3A_28 = vector.load %arg19[%get3A_26, %get3A_27] : memref<240x240xf32, #tpu.memory_space<vmem>>, vector<240x240xf32>
    %slice3A = vector.extract_strided_slice %add3A {offsets = [0, 0], sizes = [240, 100], strides = [1, 1]} : vector<1920x100xf32> to vector<240x100xf32>
    %get3A_29 = arith.constant 0 : index
    %get3A_30 = arith.constant 0 : index
    %get3A_31 = vector.load %arg6[%get3A_29, %get3A_30] : memref<1x100xf32, #tpu.memory_space<vmem>>, vector<1x100xf32>
    %dot_general3A_32 = arith.constant dense<0.000000e+00> : vector<1x240xf32>
    %dot_general3A_33 = tpu.matmul %get3A_31, %slice3A, %dot_general3A_32 {dimension_numbers = #tpu.dot_dimension_numbers<[1], [1], [0], [0], [0, 0, 1, 0], [], []>, transpose_lhs_hint = false} : vector<1x100xf32>, vector<240x100xf32>, vector<1x240xf32> -> vector<1x240xf32>
    %slice3A_34 = vector.extract_strided_slice %dot_general3A_25 {offsets = [0, 0], sizes = [240, 1], strides = [1, 1]} : vector<1920x1xf32> to vector<240x1xf32>
    %add3A_35 = vector.broadcast %slice3A_34 : vector<240x1xf32> to vector<240x240xf32>
    %add3A_36 = vector.broadcast %dot_general3A_33 : vector<1x240xf32> to vector<240x240xf32>
    %add3A_37 = arith.addf %add3A_35, %add3A_36 : vector<240x240xf32>
    %ge3A = arith.constant 0.000000e+00 : f32
    %ge3A_38 = vector.broadcast %ge3A : f32 to vector<240x240xf32>
    %ge3A_39 = arith.cmpf oge, %add3A_37, %ge3A_38 : vector<240x240xf32>
    %mul3A = arith.constant 2.000000e-01 : f32
    %mul3A_40 = vector.broadcast %mul3A : f32 to vector<240x240xf32>
    %mul3A_41 = arith.mulf %mul3A_40, %add3A_37 : vector<240x240xf32>
    %select_n3A = arith.select %ge3A_39, %add3A_37, %mul3A_41 : vector<240x240xi1>, vector<240x240xf32>
    %exp3A = math.exp %select_n3A : vector<240x240xf32>
    %mul3A_42 = arith.mulf %get3A_28, %exp3A : vector<240x240xf32>
    %reduce_sum3A = arith.constant dense<0.000000e+00> : vector<240xf32>
    %reduce_sum3A_43 = vector.multi_reduction <add>, %mul3A_42, %reduce_sum3A [1] : vector<240x240xf32> to vector<240xf32>
    %broadcast_in_dim3A = vector.shape_cast %reduce_sum3A_43 : vector<240xf32> to vector<240x1xf32>
    %dot_general3A_44 = arith.constant dense<0.000000e+00> : vector<240x100xf32>
    %dot_general3A_45 = tpu.matmul %mul3A_42, %slice3A, %dot_general3A_44 {dimension_numbers = #tpu.dot_dimension_numbers<[1], [0], [0], [1], [0, 0, 1, 1], [], []>, transpose_lhs_hint = false} : vector<240x240xf32>, vector<240x100xf32>, vector<240x100xf32> -> vector<240x100xf32>
    %add3A_46 = arith.constant 1.000000e-16 : f32
    %add3A_47 = vector.broadcast %add3A_46 : f32 to vector<240x1xf32>
    %add3A_48 = arith.addf %broadcast_in_dim3A, %add3A_47 : vector<240x1xf32>
    %div3A = vector.broadcast %add3A_48 : vector<240x1xf32> to vector<240x100xf32>
    %div3A_49 = arith.divf %dot_general3A_45, %div3A : vector<240x100xf32>
    %slice3A_50 = vector.extract_strided_slice %add3A {offsets = [240, 0], sizes = [240, 100], strides = [1, 1]} : vector<1920x100xf32> to vector<240x100xf32>
    %get3A_51 = arith.constant 0 : index
    %get3A_52 = arith.constant 0 : index
    %get3A_53 = vector.load %arg6[%get3A_51, %get3A_52] : memref<1x100xf32, #tpu.memory_space<vmem>>, vector<1x100xf32>
    %dot_general3A_54 = arith.constant dense<0.000000e+00> : vector<1x240xf32>
    %dot_general3A_55 = tpu.matmul %get3A_53, %slice3A_50, %dot_general3A_54 {dimension_numbers = #tpu.dot_dimension_numbers<[1], [1], [0], [0], [0, 0, 1, 0], [], []>, transpose_lhs_hint = false} : vector<1x100xf32>, vector<240x100xf32>, vector<1x240xf32> -> vector<1x240xf32>
    %slice3A_56 = vector.extract_strided_slice %dot_general3A_25 {offsets = [240, 0], sizes = [240, 1], strides = [1, 1]} : vector<1920x1xf32> to vector<240x1xf32>
    %add3A_57 = vector.broadcast %slice3A_56 : vector<240x1xf32> to vector<240x240xf32>
    %add3A_58 = vector.broadcast %dot_general3A_55 : vector<1x240xf32> to vector<240x240xf32>
    %add3A_59 = arith.addf %add3A_57, %add3A_58 : vector<240x240xf32>
    %ge3A_60 = arith.constant 0.000000e+00 : f32
    %ge3A_61 = vector.broadcast %ge3A_60 : f32 to vector<240x240xf32>
    %ge3A_62 = arith.cmpf oge, %add3A_59, %ge3A_61 : vector<240x240xf32>
    %mul3A_63 = arith.constant 2.000000e-01 : f32
    %mul3A_64 = vector.broadcast %mul3A_63 : f32 to vector<240x240xf32>
    %mul3A_65 = arith.mulf %mul3A_64, %add3A_59 : vector<240x240xf32>
    %select_n3A_66 = arith.select %ge3A_62, %add3A_59, %mul3A_65 : vector<240x240xi1>, vector<240x240xf32>
    %exp3A_67 = math.exp %select_n3A_66 : vector<240x240xf32>
    %mul3A_68 = arith.mulf %get3A_28, %exp3A_67 : vector<240x240xf32>
    %reduce_sum3A_69 = arith.constant dense<0.000000e+00> : vector<240xf32>
    %reduce_sum3A_70 = vector.multi_reduction <add>, %mul3A_68, %reduce_sum3A_69 [1] : vector<240x240xf32> to vector<240xf32>
    %broadcast_in_dim3A_71 = vector.shape_cast %reduce_sum3A_70 : vector<240xf32> to vector<240x1xf32>
    %dot_general3A_72 = arith.constant dense<0.000000e+00> : vector<240x100xf32>
    %dot_general3A_73 = tpu.matmul %mul3A_68, %slice3A_50, %dot_general3A_72 {dimension_numbers = #tpu.dot_dimension_numbers<[1], [0], [0], [1], [0, 0, 1, 1], [], []>, transpose_lhs_hint = false} : vector<240x240xf32>, vector<240x100xf32>, vector<240x100xf32> -> vector<240x100xf32>
    %add3A_74 = arith.constant 1.000000e-16 : f32
    %add3A_75 = vector.broadcast %add3A_74 : f32 to vector<240x1xf32>
    %add3A_76 = arith.addf %broadcast_in_dim3A_71, %add3A_75 : vector<240x1xf32>
    %div3A_77 = vector.broadcast %add3A_76 : vector<240x1xf32> to vector<240x100xf32>
    %div3A_78 = arith.divf %dot_general3A_73, %div3A_77 : vector<240x100xf32>
    %slice3A_79 = vector.extract_strided_slice %add3A {offsets = [480, 0], sizes = [240, 100], strides = [1, 1]} : vector<1920x100xf32> to vector<240x100xf32>
    %get3A_80 = arith.constant 0 : index
    %get3A_81 = arith.constant 0 : index
    %get3A_82 = vector.load %arg6[%get3A_80, %get3A_81] : memref<1x100xf32, #tpu.memory_space<vmem>>, vector<1x100xf32>
    %dot_general3A_83 = arith.constant dense<0.000000e+00> : vector<1x240xf32>
    %dot_general3A_84 = tpu.matmul %get3A_82, %slice3A_79, %dot_general3A_83 {dimension_numbers = #tpu.dot_dimension_numbers<[1], [1], [0], [0], [0, 0, 1, 0], [], []>, transpose_lhs_hint = false} : vector<1x100xf32>, vector<240x100xf32>, vector<1x240xf32> -> vector<1x240xf32>
    %slice3A_85 = vector.extract_strided_slice %dot_general3A_25 {offsets = [480, 0], sizes = [240, 1], strides = [1, 1]} : vector<1920x1xf32> to vector<240x1xf32>
    %add3A_86 = vector.broadcast %slice3A_85 : vector<240x1xf32> to vector<240x240xf32>
    %add3A_87 = vector.broadcast %dot_general3A_84 : vector<1x240xf32> to vector<240x240xf32>
    %add3A_88 = arith.addf %add3A_86, %add3A_87 : vector<240x240xf32>
    %ge3A_89 = arith.constant 0.000000e+00 : f32
    %ge3A_90 = vector.broadcast %ge3A_89 : f32 to vector<240x240xf32>
    %ge3A_91 = arith.cmpf oge, %add3A_88, %ge3A_90 : vector<240x240xf32>
    %mul3A_92 = arith.constant 2.000000e-01 : f32
    %mul3A_93 = vector.broadcast %mul3A_92 : f32 to vector<240x240xf32>
    %mul3A_94 = arith.mulf %mul3A_93, %add3A_88 : vector<240x240xf32>
    %select_n3A_95 = arith.select %ge3A_91, %add3A_88, %mul3A_94 : vector<240x240xi1>, vector<240x240xf32>
    %exp3A_96 = math.exp %select_n3A_95 : vector<240x240xf32>
    %mul3A_97 = arith.mulf %get3A_28, %exp3A_96 : vector<240x240xf32>
    %reduce_sum3A_98 = arith.constant dense<0.000000e+00> : vector<240xf32>
    %reduce_sum3A_99 = vector.multi_reduction <add>, %mul3A_97, %reduce_sum3A_98 [1] : vector<240x240xf32> to vector<240xf32>
    %broadcast_in_dim3A_100 = vector.shape_cast %reduce_sum3A_99 : vector<240xf32> to vector<240x1xf32>
    %dot_general3A_101 = arith.constant dense<0.000000e+00> : vector<240x100xf32>
    %dot_general3A_102 = tpu.matmul %mul3A_97, %slice3A_79, %dot_general3A_101 {dimension_numbers = #tpu.dot_dimension_numbers<[1], [0], [0], [1], [0, 0, 1, 1], [], []>, transpose_lhs_hint = false} : vector<240x240xf32>, vector<240x100xf32>, vector<240x100xf32> -> vector<240x100xf32>
    %add3A_103 = arith.constant 1.000000e-16 : f32
    %add3A_104 = vector.broadcast %add3A_103 : f32 to vector<240x1xf32>
    %add3A_105 = arith.addf %broadcast_in_dim3A_100, %add3A_104 : vector<240x1xf32>
    %div3A_106 = vector.broadcast %add3A_105 : vector<240x1xf32> to vector<240x100xf32>
    %div3A_107 = arith.divf %dot_general3A_102, %div3A_106 : vector<240x100xf32>
    %slice3A_108 = vector.extract_strided_slice %add3A {offsets = [720, 0], sizes = [240, 100], strides = [1, 1]} : vector<1920x100xf32> to vector<240x100xf32>
    %get3A_109 = arith.constant 0 : index
    %get3A_110 = arith.constant 0 : index
    %get3A_111 = vector.load %arg6[%get3A_109, %get3A_110] : memref<1x100xf32, #tpu.memory_space<vmem>>, vector<1x100xf32>
    %dot_general3A_112 = arith.constant dense<0.000000e+00> : vector<1x240xf32>
    %dot_general3A_113 = tpu.matmul %get3A_111, %slice3A_108, %dot_general3A_112 {dimension_numbers = #tpu.dot_dimension_numbers<[1], [1], [0], [0], [0, 0, 1, 0], [], []>, transpose_lhs_hint = false} : vector<1x100xf32>, vector<240x100xf32>, vector<1x240xf32> -> vector<1x240xf32>
    %slice3A_114 = vector.extract_strided_slice %dot_general3A_25 {offsets = [720, 0], sizes = [240, 1], strides = [1, 1]} : vector<1920x1xf32> to vector<240x1xf32>
    %add3A_115 = vector.broadcast %slice3A_114 : vector<240x1xf32> to vector<240x240xf32>
    %add3A_116 = vector.broadcast %dot_general3A_113 : vector<1x240xf32> to vector<240x240xf32>
    %add3A_117 = arith.addf %add3A_115, %add3A_116 : vector<240x240xf32>
    %ge3A_118 = arith.constant 0.000000e+00 : f32
    %ge3A_119 = vector.broadcast %ge3A_118 : f32 to vector<240x240xf32>
    %ge3A_120 = arith.cmpf oge, %add3A_117, %ge3A_119 : vector<240x240xf32>
    %mul3A_121 = arith.constant 2.000000e-01 : f32
    %mul3A_122 = vector.broadcast %mul3A_121 : f32 to vector<240x240xf32>
    %mul3A_123 = arith.mulf %mul3A_122, %add3A_117 : vector<240x240xf32>
    %select_n3A_124 = arith.select %ge3A_120, %add3A_117, %mul3A_123 : vector<240x240xi1>, vector<240x240xf32>
    %exp3A_125 = math.exp %select_n3A_124 : vector<240x240xf32>
    %mul3A_126 = arith.mulf %get3A_28, %exp3A_125 : vector<240x240xf32>
    %reduce_sum3A_127 = arith.constant dense<0.000000e+00> : vector<240xf32>
    %reduce_sum3A_128 = vector.multi_reduction <add>, %mul3A_126, %reduce_sum3A_127 [1] : vector<240x240xf32> to vector<240xf32>
    %broadcast_in_dim3A_129 = vector.shape_cast %reduce_sum3A_128 : vector<240xf32> to vector<240x1xf32>
    %dot_general3A_130 = arith.constant dense<0.000000e+00> : vector<240x100xf32>
    %dot_general3A_131 = tpu.matmul %mul3A_126, %slice3A_108, %dot_general3A_130 {dimension_numbers = #tpu.dot_dimension_numbers<[1], [0], [0], [1], [0, 0, 1, 1], [], []>, transpose_lhs_hint = false} : vector<240x240xf32>, vector<240x100xf32>, vector<240x100xf32> -> vector<240x100xf32>
    %add3A_132 = arith.constant 1.000000e-16 : f32
    %add3A_133 = vector.broadcast %add3A_132 : f32 to vector<240x1xf32>
    %add3A_134 = arith.addf %broadcast_in_dim3A_129, %add3A_133 : vector<240x1xf32>
    %div3A_135 = vector.broadcast %add3A_134 : vector<240x1xf32> to vector<240x100xf32>
    %div3A_136 = arith.divf %dot_general3A_131, %div3A_135 : vector<240x100xf32>
    %slice3A_137 = vector.extract_strided_slice %add3A {offsets = [960, 0], sizes = [240, 100], strides = [1, 1]} : vector<1920x100xf32> to vector<240x100xf32>
    %get3A_138 = arith.constant 0 : index
    %get3A_139 = arith.constant 0 : index
    %get3A_140 = vector.load %arg6[%get3A_138, %get3A_139] : memref<1x100xf32, #tpu.memory_space<vmem>>, vector<1x100xf32>
    %dot_general3A_141 = arith.constant dense<0.000000e+00> : vector<1x240xf32>
    %dot_general3A_142 = tpu.matmul %get3A_140, %slice3A_137, %dot_general3A_141 {dimension_numbers = #tpu.dot_dimension_numbers<[1], [1], [0], [0], [0, 0, 1, 0], [], []>, transpose_lhs_hint = false} : vector<1x100xf32>, vector<240x100xf32>, vector<1x240xf32> -> vector<1x240xf32>
    %slice3A_143 = vector.extract_strided_slice %dot_general3A_25 {offsets = [960, 0], sizes = [240, 1], strides = [1, 1]} : vector<1920x1xf32> to vector<240x1xf32>
    %add3A_144 = vector.broadcast %slice3A_143 : vector<240x1xf32> to vector<240x240xf32>
    %add3A_145 = vector.broadcast %dot_general3A_142 : vector<1x240xf32> to vector<240x240xf32>
    %add3A_146 = arith.addf %add3A_144, %add3A_145 : vector<240x240xf32>
    %ge3A_147 = arith.constant 0.000000e+00 : f32
    %ge3A_148 = vector.broadcast %ge3A_147 : f32 to vector<240x240xf32>
    %ge3A_149 = arith.cmpf oge, %add3A_146, %ge3A_148 : vector<240x240xf32>
    %mul3A_150 = arith.constant 2.000000e-01 : f32
    %mul3A_151 = vector.broadcast %mul3A_150 : f32 to vector<240x240xf32>
    %mul3A_152 = arith.mulf %mul3A_151, %add3A_146 : vector<240x240xf32>
    %select_n3A_153 = arith.select %ge3A_149, %add3A_146, %mul3A_152 : vector<240x240xi1>, vector<240x240xf32>
    %exp3A_154 = math.exp %select_n3A_153 : vector<240x240xf32>
    %mul3A_155 = arith.mulf %get3A_28, %exp3A_154 : vector<240x240xf32>
    %reduce_sum3A_156 = arith.constant dense<0.000000e+00> : vector<240xf32>
    %reduce_sum3A_157 = vector.multi_reduction <add>, %mul3A_155, %reduce_sum3A_156 [1] : vector<240x240xf32> to vector<240xf32>
    %broadcast_in_dim3A_158 = vector.shape_cast %reduce_sum3A_157 : vector<240xf32> to vector<240x1xf32>
    %dot_general3A_159 = arith.constant dense<0.000000e+00> : vector<240x100xf32>
    %dot_general3A_160 = tpu.matmul %mul3A_155, %slice3A_137, %dot_general3A_159 {dimension_numbers = #tpu.dot_dimension_numbers<[1], [0], [0], [1], [0, 0, 1, 1], [], []>, transpose_lhs_hint = false} : vector<240x240xf32>, vector<240x100xf32>, vector<240x100xf32> -> vector<240x100xf32>
    %add3A_161 = arith.constant 1.000000e-16 : f32
    %add3A_162 = vector.broadcast %add3A_161 : f32 to vector<240x1xf32>
    %add3A_163 = arith.addf %broadcast_in_dim3A_158, %add3A_162 : vector<240x1xf32>
    %div3A_164 = vector.broadcast %add3A_163 : vector<240x1xf32> to vector<240x100xf32>
    %div3A_165 = arith.divf %dot_general3A_160, %div3A_164 : vector<240x100xf32>
    %slice3A_166 = vector.extract_strided_slice %add3A {offsets = [1200, 0], sizes = [240, 100], strides = [1, 1]} : vector<1920x100xf32> to vector<240x100xf32>
    %get3A_167 = arith.constant 0 : index
    %get3A_168 = arith.constant 0 : index
    %get3A_169 = vector.load %arg6[%get3A_167, %get3A_168] : memref<1x100xf32, #tpu.memory_space<vmem>>, vector<1x100xf32>
    %dot_general3A_170 = arith.constant dense<0.000000e+00> : vector<1x240xf32>
    %dot_general3A_171 = tpu.matmul %get3A_169, %slice3A_166, %dot_general3A_170 {dimension_numbers = #tpu.dot_dimension_numbers<[1], [1], [0], [0], [0, 0, 1, 0], [], []>, transpose_lhs_hint = false} : vector<1x100xf32>, vector<240x100xf32>, vector<1x240xf32> -> vector<1x240xf32>
    %slice3A_172 = vector.extract_strided_slice %dot_general3A_25 {offsets = [1200, 0], sizes = [240, 1], strides = [1, 1]} : vector<1920x1xf32> to vector<240x1xf32>
    %add3A_173 = vector.broadcast %slice3A_172 : vector<240x1xf32> to vector<240x240xf32>
    %add3A_174 = vector.broadcast %dot_general3A_171 : vector<1x240xf32> to vector<240x240xf32>
    %add3A_175 = arith.addf %add3A_173, %add3A_174 : vector<240x240xf32>
    %ge3A_176 = arith.constant 0.000000e+00 : f32
    %ge3A_177 = vector.broadcast %ge3A_176 : f32 to vector<240x240xf32>
    %ge3A_178 = arith.cmpf oge, %add3A_175, %ge3A_177 : vector<240x240xf32>
    %mul3A_179 = arith.constant 2.000000e-01 : f32
    %mul3A_180 = vector.broadcast %mul3A_179 : f32 to vector<240x240xf32>
    %mul3A_181 = arith.mulf %mul3A_180, %add3A_175 : vector<240x240xf32>
    %select_n3A_182 = arith.select %ge3A_178, %add3A_175, %mul3A_181 : vector<240x240xi1>, vector<240x240xf32>
    %exp3A_183 = math.exp %select_n3A_182 : vector<240x240xf32>
    %mul3A_184 = arith.mulf %get3A_28, %exp3A_183 : vector<240x240xf32>
    %reduce_sum3A_185 = arith.constant dense<0.000000e+00> : vector<240xf32>
    %reduce_sum3A_186 = vector.multi_reduction <add>, %mul3A_184, %reduce_sum3A_185 [1] : vector<240x240xf32> to vector<240xf32>
    %broadcast_in_dim3A_187 = vector.shape_cast %reduce_sum3A_186 : vector<240xf32> to vector<240x1xf32>
    %dot_general3A_188 = arith.constant dense<0.000000e+00> : vector<240x100xf32>
    %dot_general3A_189 = tpu.matmul %mul3A_184, %slice3A_166, %dot_general3A_188 {dimension_numbers = #tpu.dot_dimension_numbers<[1], [0], [0], [1], [0, 0, 1, 1], [], []>, transpose_lhs_hint = false} : vector<240x240xf32>, vector<240x100xf32>, vector<240x100xf32> -> vector<240x100xf32>
    %add3A_190 = arith.constant 1.000000e-16 : f32
    %add3A_191 = vector.broadcast %add3A_190 : f32 to vector<240x1xf32>
    %add3A_192 = arith.addf %broadcast_in_dim3A_187, %add3A_191 : vector<240x1xf32>
    %div3A_193 = vector.broadcast %add3A_192 : vector<240x1xf32> to vector<240x100xf32>
    %div3A_194 = arith.divf %dot_general3A_189, %div3A_193 : vector<240x100xf32>
    %slice3A_195 = vector.extract_strided_slice %add3A {offsets = [1440, 0], sizes = [240, 100], strides = [1, 1]} : vector<1920x100xf32> to vector<240x100xf32>
    %get3A_196 = arith.constant 0 : index
    %get3A_197 = arith.constant 0 : index
    %get3A_198 = vector.load %arg6[%get3A_196, %get3A_197] : memref<1x100xf32, #tpu.memory_space<vmem>>, vector<1x100xf32>
    %dot_general3A_199 = arith.constant dense<0.000000e+00> : vector<1x240xf32>
    %dot_general3A_200 = tpu.matmul %get3A_198, %slice3A_195, %dot_general3A_199 {dimension_numbers = #tpu.dot_dimension_numbers<[1], [1], [0], [0], [0, 0, 1, 0], [], []>, transpose_lhs_hint = false} : vector<1x100xf32>, vector<240x100xf32>, vector<1x240xf32> -> vector<1x240xf32>
    %slice3A_201 = vector.extract_strided_slice %dot_general3A_25 {offsets = [1440, 0], sizes = [240, 1], strides = [1, 1]} : vector<1920x1xf32> to vector<240x1xf32>
    %add3A_202 = vector.broadcast %slice3A_201 : vector<240x1xf32> to vector<240x240xf32>
    %add3A_203 = vector.broadcast %dot_general3A_200 : vector<1x240xf32> to vector<240x240xf32>
    %add3A_204 = arith.addf %add3A_202, %add3A_203 : vector<240x240xf32>
    %ge3A_205 = arith.constant 0.000000e+00 : f32
    %ge3A_206 = vector.broadcast %ge3A_205 : f32 to vector<240x240xf32>
    %ge3A_207 = arith.cmpf oge, %add3A_204, %ge3A_206 : vector<240x240xf32>
    %mul3A_208 = arith.constant 2.000000e-01 : f32
    %mul3A_209 = vector.broadcast %mul3A_208 : f32 to vector<240x240xf32>
    %mul3A_210 = arith.mulf %mul3A_209, %add3A_204 : vector<240x240xf32>
    %select_n3A_211 = arith.select %ge3A_207, %add3A_204, %mul3A_210 : vector<240x240xi1>, vector<240x240xf32>
    %exp3A_212 = math.exp %select_n3A_211 : vector<240x240xf32>
    %mul3A_213 = arith.mulf %get3A_28, %exp3A_212 : vector<240x240xf32>
    %reduce_sum3A_214 = arith.constant dense<0.000000e+00> : vector<240xf32>
    %reduce_sum3A_215 = vector.multi_reduction <add>, %mul3A_213, %reduce_sum3A_214 [1] : vector<240x240xf32> to vector<240xf32>
    %broadcast_in_dim3A_216 = vector.shape_cast %reduce_sum3A_215 : vector<240xf32> to vector<240x1xf32>
    %dot_general3A_217 = arith.constant dense<0.000000e+00> : vector<240x100xf32>
    %dot_general3A_218 = tpu.matmul %mul3A_213, %slice3A_195, %dot_general3A_217 {dimension_numbers = #tpu.dot_dimension_numbers<[1], [0], [0], [1], [0, 0, 1, 1], [], []>, transpose_lhs_hint = false} : vector<240x240xf32>, vector<240x100xf32>, vector<240x100xf32> -> vector<240x100xf32>
    %add3A_219 = arith.constant 1.000000e-16 : f32
    %add3A_220 = vector.broadcast %add3A_219 : f32 to vector<240x1xf32>
    %add3A_221 = arith.addf %broadcast_in_dim3A_216, %add3A_220 : vector<240x1xf32>
    %div3A_222 = vector.broadcast %add3A_221 : vector<240x1xf32> to vector<240x100xf32>
    %div3A_223 = arith.divf %dot_general3A_218, %div3A_222 : vector<240x100xf32>
    %slice3A_224 = vector.extract_strided_slice %add3A {offsets = [1680, 0], sizes = [240, 100], strides = [1, 1]} : vector<1920x100xf32> to vector<240x100xf32>
    %get3A_225 = arith.constant 0 : index
    %get3A_226 = arith.constant 0 : index
    %get3A_227 = vector.load %arg6[%get3A_225, %get3A_226] : memref<1x100xf32, #tpu.memory_space<vmem>>, vector<1x100xf32>
    %dot_general3A_228 = arith.constant dense<0.000000e+00> : vector<1x240xf32>
    %dot_general3A_229 = tpu.matmul %get3A_227, %slice3A_224, %dot_general3A_228 {dimension_numbers = #tpu.dot_dimension_numbers<[1], [1], [0], [0], [0, 0, 1, 0], [], []>, transpose_lhs_hint = false} : vector<1x100xf32>, vector<240x100xf32>, vector<1x240xf32> -> vector<1x240xf32>
    %slice3A_230 = vector.extract_strided_slice %dot_general3A_25 {offsets = [1680, 0], sizes = [240, 1], strides = [1, 1]} : vector<1920x1xf32> to vector<240x1xf32>
    %add3A_231 = vector.broadcast %slice3A_230 : vector<240x1xf32> to vector<240x240xf32>
    %add3A_232 = vector.broadcast %dot_general3A_229 : vector<1x240xf32> to vector<240x240xf32>
    %add3A_233 = arith.addf %add3A_231, %add3A_232 : vector<240x240xf32>
    %ge3A_234 = arith.constant 0.000000e+00 : f32
    %ge3A_235 = vector.broadcast %ge3A_234 : f32 to vector<240x240xf32>
    %ge3A_236 = arith.cmpf oge, %add3A_233, %ge3A_235 : vector<240x240xf32>
    %mul3A_237 = arith.constant 2.000000e-01 : f32
    %mul3A_238 = vector.broadcast %mul3A_237 : f32 to vector<240x240xf32>
    %mul3A_239 = arith.mulf %mul3A_238, %add3A_233 : vector<240x240xf32>
    %select_n3A_240 = arith.select %ge3A_236, %add3A_233, %mul3A_239 : vector<240x240xi1>, vector<240x240xf32>
    %exp3A_241 = math.exp %select_n3A_240 : vector<240x240xf32>
    %mul3A_242 = arith.mulf %get3A_28, %exp3A_241 : vector<240x240xf32>
    %reduce_sum3A_243 = arith.constant dense<0.000000e+00> : vector<240xf32>
    %reduce_sum3A_244 = vector.multi_reduction <add>, %mul3A_242, %reduce_sum3A_243 [1] : vector<240x240xf32> to vector<240xf32>
    %broadcast_in_dim3A_245 = vector.shape_cast %reduce_sum3A_244 : vector<240xf32> to vector<240x1xf32>
    %dot_general3A_246 = arith.constant dense<0.000000e+00> : vector<240x100xf32>
    %dot_general3A_247 = tpu.matmul %mul3A_242, %slice3A_224, %dot_general3A_246 {dimension_numbers = #tpu.dot_dimension_numbers<[1], [0], [0], [1], [0, 0, 1, 1], [], []>, transpose_lhs_hint = false} : vector<240x240xf32>, vector<240x100xf32>, vector<240x100xf32> -> vector<240x100xf32>
    %add3A_248 = arith.constant 1.000000e-16 : f32
    %add3A_249 = vector.broadcast %add3A_248 : f32 to vector<240x1xf32>
    %add3A_250 = arith.addf %broadcast_in_dim3A_245, %add3A_249 : vector<240x1xf32>
    %div3A_251 = vector.broadcast %add3A_250 : vector<240x1xf32> to vector<240x100xf32>
    %div3A_252 = arith.divf %dot_general3A_247, %div3A_251 : vector<240x100xf32>
    %concatenate3A = tpu.concatenate %div3A_49, %div3A_78, %div3A_107, %div3A_136, %div3A_165, %div3A_194, %div3A_223, %div3A_252 in 0 : vector<240x100xf32>, vector<240x100xf32>, vector<240x100xf32>, vector<240x100xf32>, vector<240x100xf32>, vector<240x100xf32>, vector<240x100xf32>, vector<240x100xf32> -> vector<1920x100xf32>
    %get3A_253 = arith.constant 0 : index
    %get3A_254 = arith.constant 0 : index
    %get3A_255 = vector.load %arg8[%get3A_253, %get3A_254] : memref<1x100xf32, #tpu.memory_space<vmem>>, vector<1x100xf32>
    %add3A_256 = vector.broadcast %get3A_255 : vector<1x100xf32> to vector<1920x100xf32>
    %add3A_257 = arith.addf %concatenate3A, %add3A_256 : vector<1920x100xf32>
    %get3A_258 = arith.constant 0 : index
    %get3A_259 = arith.constant 0 : index
    %get3A_260 = vector.load %arg9[%get3A_258, %get3A_259] : memref<100x100xf32, #tpu.memory_space<vmem>>, vector<100x100xf32>
    %dot_general3A_261 = arith.constant dense<0.000000e+00> : vector<1920x100xf32>
    %dot_general3A_262 = tpu.matmul %convert_element_type3A_5, %get3A_260, %dot_general3A_261 {dimension_numbers = #tpu.dot_dimension_numbers<[1], [0], [0], [1], [0, 0, 1, 1], [], []>, transpose_lhs_hint = false} : vector<1920x100xf32>, vector<100x100xf32>, vector<1920x100xf32> -> vector<1920x100xf32>
    %get3A_263 = arith.constant 0 : index
    %get3A_264 = arith.constant 0 : index
    %get3A_265 = vector.load %arg10[%get3A_263, %get3A_264] : memref<100x100xf32, #tpu.memory_space<vmem>>, vector<100x100xf32>
    %dot_general3A_266 = arith.constant dense<0.000000e+00> : vector<1920x100xf32>
    %dot_general3A_267 = tpu.matmul %add3A_257, %get3A_265, %dot_general3A_266 {dimension_numbers = #tpu.dot_dimension_numbers<[1], [0], [0], [1], [0, 0, 1, 1], [], []>, transpose_lhs_hint = false} : vector<1920x100xf32>, vector<100x100xf32>, vector<1920x100xf32> -> vector<1920x100xf32>
    %add3A_268 = arith.addf %dot_general3A_262, %dot_general3A_267 : vector<1920x100xf32>
    %get3A_269 = arith.constant 0 : index
    %get3A_270 = arith.constant 0 : index
    %get3A_271 = vector.load %arg13[%get3A_269, %get3A_270] : memref<1x100xf32, #tpu.memory_space<vmem>>, vector<1x100xf32>
    %add3A_272 = vector.broadcast %get3A_271 : vector<1x100xf32> to vector<1920x100xf32>
    %add3A_273 = arith.addf %add3A_268, %add3A_272 : vector<1920x100xf32>
    %logistic3A = arith.negf %add3A_273 : vector<1920x100xf32>
    %logistic3A_274 = math.exp %logistic3A : vector<1920x100xf32>
    %logistic3A_275 = arith.constant 1.000000e+00 : f32
    %logistic3A_276 = vector.broadcast %logistic3A_275 : f32 to vector<1920x100xf32>
    %logistic3A_277 = arith.addf %logistic3A_276, %logistic3A_274 : vector<1920x100xf32>
    %logistic3A_278 = arith.divf %logistic3A_276, %logistic3A_277 : vector<1920x100xf32>
    %get3A_279 = arith.constant 0 : index
    %get3A_280 = arith.constant 0 : index
    %get3A_281 = vector.load %arg11[%get3A_279, %get3A_280] : memref<100x100xf32, #tpu.memory_space<vmem>>, vector<100x100xf32>
    %dot_general3A_282 = arith.constant dense<0.000000e+00> : vector<1920x100xf32>
    %dot_general3A_283 = tpu.matmul %convert_element_type3A_5, %get3A_281, %dot_general3A_282 {dimension_numbers = #tpu.dot_dimension_numbers<[1], [0], [0], [1], [0, 0, 1, 1], [], []>, transpose_lhs_hint = false} : vector<1920x100xf32>, vector<100x100xf32>, vector<1920x100xf32> -> vector<1920x100xf32>
    %get3A_284 = arith.constant 0 : index
    %get3A_285 = arith.constant 0 : index
    %get3A_286 = vector.load %arg12[%get3A_284, %get3A_285] : memref<100x100xf32, #tpu.memory_space<vmem>>, vector<100x100xf32>
    %dot_general3A_287 = arith.constant dense<0.000000e+00> : vector<1920x100xf32>
    %dot_general3A_288 = tpu.matmul %add3A_257, %get3A_286, %dot_general3A_287 {dimension_numbers = #tpu.dot_dimension_numbers<[1], [0], [0], [1], [0, 0, 1, 1], [], []>, transpose_lhs_hint = false} : vector<1920x100xf32>, vector<100x100xf32>, vector<1920x100xf32> -> vector<1920x100xf32>
    %add3A_289 = arith.addf %dot_general3A_283, %dot_general3A_288 : vector<1920x100xf32>
    %get3A_290 = arith.constant 0 : index
    %get3A_291 = arith.constant 0 : index
    %get3A_292 = vector.load %arg14[%get3A_290, %get3A_291] : memref<1x100xf32, #tpu.memory_space<vmem>>, vector<1x100xf32>
    %add3A_293 = vector.broadcast %get3A_292 : vector<1x100xf32> to vector<1920x100xf32>
    %add3A_294 = arith.addf %add3A_289, %add3A_293 : vector<1920x100xf32>
    %logistic3A_295 = arith.negf %add3A_294 : vector<1920x100xf32>
    %logistic3A_296 = math.exp %logistic3A_295 : vector<1920x100xf32>
    %logistic3A_297 = arith.constant 1.000000e+00 : f32
    %logistic3A_298 = vector.broadcast %logistic3A_297 : f32 to vector<1920x100xf32>
    %logistic3A_299 = arith.addf %logistic3A_298, %logistic3A_296 : vector<1920x100xf32>
    %logistic3A_300 = arith.divf %logistic3A_298, %logistic3A_299 : vector<1920x100xf32>
    %get3A_301 = arith.constant 0 : index
    %get3A_302 = arith.constant 0 : index
    %get3A_303 = vector.load %arg15[%get3A_301, %get3A_302] : memref<100x100xf32, #tpu.memory_space<vmem>>, vector<100x100xf32>
    %dot_general3A_304 = arith.constant dense<0.000000e+00> : vector<1920x100xf32>
    %dot_general3A_305 = tpu.matmul %convert_element_type3A_5, %get3A_303, %dot_general3A_304 {dimension_numbers = #tpu.dot_dimension_numbers<[1], [0], [0], [1], [0, 0, 1, 1], [], []>, transpose_lhs_hint = false} : vector<1920x100xf32>, vector<100x100xf32>, vector<1920x100xf32> -> vector<1920x100xf32>
    %mul3A_306 = arith.mulf %logistic3A_278, %add3A_257 : vector<1920x100xf32>
    %get3A_307 = arith.constant 0 : index
    %get3A_308 = arith.constant 0 : index
    %get3A_309 = vector.load %arg16[%get3A_307, %get3A_308] : memref<100x100xf32, #tpu.memory_space<vmem>>, vector<100x100xf32>
    %dot_general3A_310 = arith.constant dense<0.000000e+00> : vector<1920x100xf32>
    %dot_general3A_311 = tpu.matmul %mul3A_306, %get3A_309, %dot_general3A_310 {dimension_numbers = #tpu.dot_dimension_numbers<[1], [0], [0], [1], [0, 0, 1, 1], [], []>, transpose_lhs_hint = false} : vector<1920x100xf32>, vector<100x100xf32>, vector<1920x100xf32> -> vector<1920x100xf32>
    %add3A_312 = arith.addf %dot_general3A_305, %dot_general3A_311 : vector<1920x100xf32>
    %get3A_313 = arith.constant 0 : index
    %get3A_314 = arith.constant 0 : index
    %get3A_315 = vector.load %arg17[%get3A_313, %get3A_314] : memref<1x100xf32, #tpu.memory_space<vmem>>, vector<1x100xf32>
    %add3A_316 = vector.broadcast %get3A_315 : vector<1x100xf32> to vector<1920x100xf32>
    %add3A_317 = arith.addf %add3A_312, %add3A_316 : vector<1920x100xf32>
    %tanh3A = math.tanh %add3A_317 : vector<1920x100xf32>
    %mul3A_318 = arith.mulf %logistic3A_300, %add3A_257 : vector<1920x100xf32>
    %sub3A = arith.constant 1.000000e+00 : f32
    %sub3A_319 = vector.broadcast %sub3A : f32 to vector<1920x100xf32>
    %sub3A_320 = arith.subf %sub3A_319, %logistic3A_300 : vector<1920x100xf32>
    %mul3A_321 = arith.mulf %sub3A_320, %tanh3A : vector<1920x100xf32>
    %add3A_322 = arith.addf %mul3A_318, %mul3A_321 : vector<1920x100xf32>
    %convert_element_type3A_323 = arith.truncf %add3A_322 : vector<1920x100xf32> to vector<1920x100xbf16>
    %reshape3A_324 = vector.shape_cast %convert_element_type3A_323 : vector<1920x100xbf16> to vector<8x240x100xbf16>
    %swap3A = arith.constant 0 : index
    %swap3A_325 = arith.constant 0 : index
    %swap3A_326 = arith.constant 0 : index
    %swap3A_327 = vector.load %arg18[%swap3A, %swap3A_325, %swap3A_326] : memref<8x240x100xbf16, #tpu.memory_space<vmem>>, vector<8x240x100xbf16>
    tpu.vector_store %arg18[%swap3A, %swap3A_325, %swap3A_326], %reshape3A_324 {strides = array<i32>} : memref<8x240x100xbf16, #tpu.memory_space<vmem>>, vector<8x240x100xbf16>,
    return
  }
  func.func @transform_0(%arg0: i32) -> (i32, i32, i32, i32) {
    %c0_i32 = arith.constant 0 : i32
    %c0_i32_0 = arith.constant 0 : i32
    %c0_i32_1 = arith.constant 0 : i32
    %c0_i32_2 = arith.constant 0 : i32
    %c0_i32_3 = arith.constant 0 : i32
    return %c0_i32, %c0_i32_0, %c0_i32_1, %c0_i32_2 : i32, i32, i32, i32
  }
  func.func @transform_1(%arg0: i32) -> (i32, i32, i32) {
    %c0_i32 = arith.constant 0 : i32
    %c0_i32_0 = arith.constant 0 : i32
    %c0_i32_1 = arith.constant 0 : i32
    return %arg0, %c0_i32, %c0_i32_0 : i32, i32, i32
  }
  func.func @transform_2(%arg0: i32) -> (i32, i32, i32) {
    %c0_i32 = arith.constant 0 : i32
    %c0_i32_0 = arith.constant 0 : i32
    %c0_i32_1 = arith.constant 0 : i32
    return %arg0, %c0_i32, %c0_i32_0 : i32, i32, i32
  }
  func.func @transform_3(%arg0: i32) -> (i32, i32) {
    %c0_i32 = arith.constant 0 : i32
    %c0_i32_0 = arith.constant 0 : i32
    %c0_i32_1 = arith.constant 0 : i32
    return %c0_i32, %c0_i32_0 : i32, i32
  }
  func.func @transform_4(%arg0: i32) -> (i32, i32) {
    %c0_i32 = arith.constant 0 : i32
    %c0_i32_0 = arith.constant 0 : i32
    %c0_i32_1 = arith.constant 0 : i32
    return %c0_i32, %c0_i32_0 : i32, i32
  }
  func.func @transform_5(%arg0: i32) -> (i32, i32) {
    %c0_i32 = arith.constant 0 : i32
    %c0_i32_0 = arith.constant 0 : i32
    %c0_i32_1 = arith.constant 0 : i32
    return %c0_i32, %c0_i32_0 : i32, i32
  }
  func.func @transform_6(%arg0: i32) -> (i32, i32) {
    %c0_i32 = arith.constant 0 : i32
    %c0_i32_0 = arith.constant 0 : i32
    %c0_i32_1 = arith.constant 0 : i32
    return %c0_i32, %c0_i32_0 : i32, i32
  }
  func.func @transform_7(%arg0: i32) -> (i32, i32) {
    %c0_i32 = arith.constant 0 : i32
    %c0_i32_0 = arith.constant 0 : i32
    %c0_i32_1 = arith.constant 0 : i32
    return %c0_i32, %c0_i32_0 : i32, i32
  }
  func.func @transform_8(%arg0: i32) -> (i32, i32) {
    %c0_i32 = arith.constant 0 : i32
    %c0_i32_0 = arith.constant 0 : i32
    %c0_i32_1 = arith.constant 0 : i32
    return %c0_i32, %c0_i32_0 : i32, i32
  }
  func.func @transform_9(%arg0: i32) -> (i32, i32) {
    %c0_i32 = arith.constant 0 : i32
    %c0_i32_0 = arith.constant 0 : i32
    %c0_i32_1 = arith.constant 0 : i32
    return %c0_i32, %c0_i32_0 : i32, i32
  }
  func.func @transform_10(%arg0: i32) -> (i32, i32) {
    %c0_i32 = arith.constant 0 : i32
    %c0_i32_0 = arith.constant 0 : i32
    %c0_i32_1 = arith.constant 0 : i32
    return %c0_i32, %c0_i32_0 : i32, i32
  }
  func.func @transform_11(%arg0: i32) -> (i32, i32) {
    %c0_i32 = arith.constant 0 : i32
    %c0_i32_0 = arith.constant 0 : i32
    %c0_i32_1 = arith.constant 0 : i32
    return %c0_i32, %c0_i32_0 : i32, i32
  }
  func.func @transform_12(%arg0: i32) -> (i32, i32) {
    %c0_i32 = arith.constant 0 : i32
    %c0_i32_0 = arith.constant 0 : i32
    %c0_i32_1 = arith.constant 0 : i32
    return %c0_i32, %c0_i32_0 : i32, i32
  }
  func.func @transform_13(%arg0: i32) -> (i32, i32) {
    %c0_i32 = arith.constant 0 : i32
    %c0_i32_0 = arith.constant 0 : i32
    %c0_i32_1 = arith.constant 0 : i32
    return %c0_i32, %c0_i32_0 : i32, i32
  }
  func.func @transform_14(%arg0: i32) -> (i32, i32) {
    %c0_i32 = arith.constant 0 : i32
    %c0_i32_0 = arith.constant 0 : i32
    %c0_i32_1 = arith.constant 0 : i32
    return %c0_i32, %c0_i32_0 : i32, i32
  }
  func.func @transform_15(%arg0: i32) -> (i32, i32) {
    %c0_i32 = arith.constant 0 : i32
    %c0_i32_0 = arith.constant 0 : i32
    %c0_i32_1 = arith.constant 0 : i32
    return %c0_i32, %c0_i32_0 : i32, i32
  }
  func.func @transform_16(%arg0: i32) -> (i32, i32) {
    %c0_i32 = arith.constant 0 : i32
    %c0_i32_0 = arith.constant 0 : i32
    %c0_i32_1 = arith.constant 0 : i32
    return %c0_i32, %c0_i32_0 : i32, i32
  }
  func.func @transform_17(%arg0: i32) -> (i32, i32, i32) {
    %c0_i32 = arith.constant 0 : i32
    %c0_i32_0 = arith.constant 0 : i32
    %c0_i32_1 = arith.constant 0 : i32
    return %arg0, %c0_i32, %c0_i32_0 : i32, i32, i32
  }
}

</mosaic_0001>

<sc_bundles>
// kernel: kernel.4.cloned.1.call-start
scs
__scs_entry_jumppad:
0x0: {  	(pc) =	sbr.rel $0x88, $3  }
0x1: {  	(tag) =	ssettag $0x0;
	lr =	simm.s32 $0x1  }
0x2: {  	[smem:$0x3F95] =	sst lr;
	_ =	strace $0xD0000000  }
0x3: {  	_ = 	snop  }
0x4: {  	_ = 	snop  }
0x5: {  	_ = 	snop  }
0x6: {  	_ = 	snop  }
0x7: {  	_ = 	snop  }
__scs_overlays_trampoline_lowered:
0x8: {  	[smem:$0x3FA4] =	sst s0  }
0x9: {  	[smem:$0x3FA5] =	sst s1  }
0xa: {  	[smem:$0x3FA6] =	sst s2  }
0xb: {  	[smem:$0x3FA7] =	sst s3  }
0xc: {  	[smem:$0x3FA8] =	sst s4  }
0xd: {  	[smem:$0x3FA9] =	sst s5  }
0xe: {  	[smem:$0x3FAA] =	sst s6  }
0xf: {  	[smem:$0x3FAB] =	sst s7  }
0x10: {  	[smem:$0x3FAC] =	sst s8  }
0x11: {  	[smem:$0x3FAD] =	sst s9;
	s0 =	simm.s32 @!p0 $0x0  }
0x12: {  	s1 =	sld [smem:$0x3F93];
	s0 =	simm.s32 @p0 $0x1  }
0x13: {  	[smem:$0x3FAE] =	sst s0;
	s0 =	simm.s32 @!p1 $0x0  }
0x14: {  	s2 =	sld [smem:$0x3F92];
	s0 =	simm.s32 @p1 $0x1  }
0x15: {  	[smem:$0x3FAF] =	sst s0;
	s0 =	simm.s32 @!p2 $0x0  }
0x16: {  	s3 =	sld [smem:$0x3FDB];
	s0 =	simm.s32 @p2 $0x1  }
0x17: {  	s4 =	simm.s32 $0x1BF5;
	[smem:$0x3FB1] =	sst s0  }
0x18: {  	s0 =	sld [smem:$0x3F94];
	_ =	swait.ge [sflag:s4], $0x0  }
0x19: {  	s7 =	sld [smem:$0x3F95]  }
0x1a: {  	s8 =	sadd.s32 $0xFFFFE003, lr  }
0x1b: {  	s9 =	sadd.s32 $0xFFFFFEF7, lr;
	s5 =	simm.s32 $0xFFFFFFFF;
	p2 =	slt.u32 s8, $0xFFFFF086  }
0x1c: {  	p1 =	slt.u32 s9, $0xF7A;
	s5 =	simm.s32 @!p2 $0x0  }
0x1d: {  	s5 =	simm.s32 @p1 $0x1;
	p0 =	seq.s32 s7, s2  }
0x1e: {  	s7 =	smul.u32 @!p0 $0xF7A, s2;
	p2 =	seq.s32 @!p0 s5, $0x0  }
0x1f: {  	s9 =	smul.u32 $0xF7A, s1;
	s8 =	simm.s32 @!p0 $0x1BF5;
	p2 =	por !p2, p0  }
0x20: {  	[sflag:s8] =	ssyncset.s32 @!p0 $0xFFFFF086;
	s6 =	sadd.s32 @!p0 s3, s7;
	s7 =	simm.s32 @!p0 $0x108  }
0x21: {  	s3 =	sadd.s32 s3, s9;
	s6 =	sadd.s32 @!p0 $0x88, s6;
	s7 =	simm.s32 @p2 $0x1082  }
0x22: {  	[simem:s7], [sflag:s8] =	dma.local @!p0 [hbm:s6], $0xF7A  }
0x23: {  	s9 =	sor.u32 $0xD0000000, s2;
	s6 =	simm.s32 $0x108;
	_ =	swait.ge @!p0 [sflag:s8], $0x0  }
0x24: {  	s3 =	sadd.s32 $0x88, s3;
	s6 =	simm.s32 @!p1 $0x1082;
	[sflag:s4] =	ssyncset.s32 $0xFFFFF086  }
0x25: {  	[simem:s6], [sflag:s4] =	dma.local [hbm:s3], $0xF7A  }
0x26: {  	[smem:$0x3F95] =	sst s1;
	(tag) =	ssettag s2;
	_ =	strace s9  }
0x27: {  	s1 =	sld [smem:$0x3FA5]  }
0x28: {  	s2 =	sld [smem:$0x3FA6]  }
0x29: {  	s4 =	sld [smem:$0x3FA8]  }
0x2a: {  	p0 =	seq.s32 s5, $0x0;
	s5 =	sld [smem:$0x3FA9]  }
0x2b: {  	s6 =	sld [smem:$0x3FAA]  }
0x2c: {  	s7 =	sld [smem:$0x3FAB]  }
0x2d: {  	s3 =	simm.s32 $0x108;
	s8 =	sld [smem:$0x3FAC]  }
0x2e: {  	s3 =	simm.s32 @!p0 $0x1082;
	s9 =	sld [smem:$0x3FAD]  }
0x2f: {  	lr =	sadd.s32 s0, s3;
	s0 =	sld [smem:$0x3FA4]  }
0x30: {  	s3 =	sld [smem:$0x3FA7]  }
0x31: {  	[smem:$0x3FB0] =	sst s10  }
0x32: {  	s10 =	sld [smem:$0x3FAE];
	_ =	sdelay $0x3  }
0x33: {  	p0 =	seq.s32 s10, $0x1;
	s10 =	sld [smem:$0x3FB0];
	_ =	sdelay $0x3  }
0x34: {  	[smem:$0x3FB0] =	sst s10  }
0x35: {  	s10 =	sld [smem:$0x3FAF];
	_ =	sdelay $0x3  }
0x36: {  	p1 =	seq.s32 s10, $0x1;
	s10 =	sld [smem:$0x3FB0];
	_ =	sdelay $0x3  }
0x37: {  	[smem:$0x3FB0] =	sst s10  }
0x38: {  	s10 =	sld [smem:$0x3FB1]  }
0x39: {  	_ = 	snop;
	(pc) =	sbr.ind lr, $3  }
0x3a: {  	_ = 	snop  }
0x3b: {  	_ = 	snop  }
0x3c: {  	p2 =	seq.s32 s10, $0x1;
	s10 =	sld [smem:$0x3FB0]  }
0x3d: {  	_ =	shalt  }
0x3e: {  	_ =	shalt  }
0x3f: {  	_ =	shalt  }
0x40: {  	_ =	shalt  }
0x41: {  	_ =	shalt  }
0x42: {  	_ =	shalt  }
0x43: {  	_ =	shalt  }
0x44: {  	_ =	shalt  }
0x45: {  	_ =	shalt  }
0x46: {  	_ =	shalt  }
0x47: {  	_ =	shalt  }
0x48: {  	_ =	shalt  }
0x49: {  	_ =	shalt  }
0x4a: {  	_ =	shalt  }
0x4b: {  	_ =	shalt  }
0x4c: {  	_ =	shalt  }
0x4d: {  	_ =	shalt  }
0x4e: {  	_ =	shalt  }
0x4f: {  	_ =	shalt  }
0x50: {  	_ =	shalt  }
0x51: {  	_ =	shalt  }
0x52: {  	_ =	shalt  }
0x53: {  	_ =	shalt  }
0x54: {  	_ =	shalt  }
0x55: {  	_ =	shalt  }
0x56: {  	_ =	shalt  }
0x57: {  	_ =	shalt  }
0x58: {  	_ =	shalt  }
0x59: {  	_ =	shalt  }
0x5a: {  	_ =	shalt  }
0x5b: {  	_ =	shalt  }
0x5c: {  	_ =	shalt  }
0x5d: {  	_ =	shalt  }
0x5e: {  	_ =	shalt  }
0x5f: {  	_ =	shalt  }
0x60: {  	_ =	shalt  }
0x61: {  	_ =	shalt  }
0x62: {  	_ =	shalt  }
0x63: {  	_ =	shalt  }
0x64: {  	_ =	shalt  }
0x65: {  	_ =	shalt  }
0x66: {  	_ =	shalt  }
0x67: {  	_ =	shalt  }
0x68: {  	_ =	shalt  }
0x69: {  	_ =	shalt  }
0x6a: {  	_ =	shalt  }
0x6b: {  	_ =	shalt  }
0x6c: {  	_ =	shalt  }
0x6d: {  	_ =	shalt  }
0x6e: {  	_ =	shalt  }
0x6f: {  	_ =	shalt  }
0x70: {  	_ =	shalt  }
0x71: {  	_ =	shalt  }
0x72: {  	_ =	shalt  }
0x73: {  	_ =	shalt  }
0x74: {  	_ =	shalt  }
0x75: {  	_ =	shalt  }
0x76: {  	_ =	shalt  }
0x77: {  	_ =	shalt  }
0x78: {  	_ =	shalt  }
0x79: {  	_ =	shalt  }
0x7a: {  	_ =	shalt  }
0x7b: {  	_ =	shalt  }
0x7c: {  	_ =	shalt  }
0x7d: {  	_ =	shalt  }
0x7e: {  	_ =	shalt  }
0x7f: {  	_ =	shalt  }
0x80: {  	_ =	shalt  }
0x81: {  	_ =	shalt  }
0x82: {  	_ =	shalt  }
0x83: {  	_ =	shalt  }
0x84: {  	_ =	shalt  }
0x85: {  	_ =	shalt  }
0x86: {  	_ =	shalt  }
0x87: {  	_ =	shalt  }
.Lfunc_end0:
.L_simem_size_0:
called_computation_lowered:
.L_overlay_start_0:
0x88: {  	s2 =	sld [smem:$0x3FD9]  }
0x89: {  	s3 =	sld [smem:$0x3FFE];
	_ =	sdelay $0x1  }
0x8a: {  	s1 =	srdreg.scid  }
0x8b: {  	s0 =	sand.u32 $0x1, s1  }
0x8c: {  	s17 =	sshll.u32 s0, $0xA;
	s2 =	sadd.s32 s3, s2  }
0x8d: {  	s2 =	sadd.s32 s2, s17  }
0x8e: {  	[smem:$0x3FBC] =	sst s2  }
0x8f: {  	_ = 	snop  }
0x90: {  	s2 =	sld [smem:$0x3FD0];
	(tm) =	ssettm $0x1  }
0x91: {  	s18 =	sld [smem:$0x3FFB];
	_ =	sdelay $0x3  }
0x92: {  	_ =	strace s18  }
0x93: {  	s3 =	sld [smem:$0x3FFC];
	_ =	sdelay $0x3  }
0x94: {  	_ =	strace s3  }
0x95: {  	s3 =	sld [smem:$0x3FFD];
	_ =	sdelay $0x3  }
0x96: {  	_ =	strace s3  }
0x97: {  	_ =	strace $0x8FFFFFFF  }
0x98: {  	s19 =	sld [smem:$0x3FDB];
	_ =	sdelay $0x1  }
0x99: {  	s4 =	simm.s32 $_scs_section_size  }
0x9a: {  	s5 =	simm.s32 $_size__tile_overlayer_lowered;
	s6 =	simm.s32 $_tile_overlayer_lowered  }
0x9b: {  	s22 =	simm.s32 $0x1BFF;
	s21 =	sshll.u32 s6, $0x1;
	s3 =	sadd.s32 s4, s19  }
0x9c: {  	s7 =	simm.s32 $0x0;
	s20 =	sshll.u32 s5, $0x1;
	s5 =	sadd.s32 s21, s3  }
0x9d: {  	[timem:s7], [sflag:s22] =	dma.local [hbm:s5], s20  }
0x9e: {  	_ =	swait.ge [sflag:s22], s20  }
0x9f: {  	s4 =	ssub.s32 $0x0, s20;
	[sflag:s22] =	ssyncset.done $0x0  }
0xa0: {  	[sflag:s22] =	ssyncadd.s32 s4;
	_ =	sdelay $0x1  }
0xa1: {  	s23 =	simm.s32 $0x1B8B  }
0xa2: {  	_ =	swait.ge [sflag:s23], $0x1  }
0xa3: {  	[sflag:s23] =	ssyncset.done $0x0  }
0xa4: {  	s25 =	simm.s32 $0x1B8E;
	s24 =	sld [smem:$0x3FFE];
	[sflag:s23] =	ssyncadd.s32 $0xFFFFFFFF  }
0xa5: {  	s26 =	simm.s32 $execute0_lowered;
	[smem:$0x3FD2] =	sst s25  }
0xa6: {  	s5 =	sshll.u32 s26, $0x1;
	_ =	strace $0x80000046;
	[dreg:$0x1] =	wrdreg $0xFFFFFFFF  }
0xa7: {  	s28 =	simm.s32 $_size_execute0_lowered;
	s3 =	sadd.s32 s3, s5;
	[dreg:$0x0] =	wrdreg $0x0  }
0xa8: {  	s5 =	sshll.u32 s28, $0x1;
	[dreg:$0x2] =	wrdreg s3  }
0xa9: {  	[dreg:$0x3] =	wrdreg s5  }
0xaa: {  	[dreg:$0x4] =	wrdreg $0xC0  }
0xab: {  	_ =	task [dreg:s7], $0x5FFFF  }
0xac: {  	[dreg:$0x1] =	wrdreg $0xFFFFFFFF  }
0xad: {  	[dreg:$0x0] =	wrdreg $0x60  }
0xae: {  	[dreg:$0x2] =	wrdreg s24  }
0xaf: {  	[dreg:$0x3] =	wrdreg s2  }
0xb0: {  	[dreg:$0x4] =	wrdreg $0x9  }
0xb1: {  	_ =	task.clear_ibuf [dreg:s7], $0x5FFFF;
	_ =	strace $0x90000046  }
0xb2: {  	s29 =	simm.s32 $0x9;
	_ =	strace $0x80000048  }
0xb3: {  	_ =	swait.ge [sflag:s29], $0x1  }
0xb4: {  	[sflag:s29] =	ssyncadd.s32 $0xFFFFFFFF  }
0xb5: {  	_ =	strace $0x90000048  }
0xb6: {  	_ =	sfence  }
0xb7: {  	s30 =	sld [smem:$0x0];
	_ =	sdelay $0x2  }
0xb8: {  	s31 =	sshll.u32 s1, $0xD;
	s1 =	sshrl.u32 s1, $0x2  }
0xb9: {  	s3 =	sand.u32 $0x4000, s31;
	s1 =	sadd.s32 s1, s30  }
0xba: {  	s0 =	sor.u32 s3, s0;
	s1 =	sshll.u32 s1, $0x11  }
0xbb: {  	s0 =	sor.u32 s1, s0  }
0xbc: {  	s0 =	sadd.s32 $0x8F2B, s0  }
0xbd: {  	[sflag:s0] =	ssyncadd.remote.s32 $0x1  }
0xbe: {  	_ =	sfence.sel $0xFFFF  }
0xbf: {  	[dreg:$0x0] =	wrdreg $0xFFFFFFFF;
	(pc) =	sbr.abs _section_cstart, $3  }
0xc0: {  	[dreg:$0x1] =	wrdreg $0xFFFFFFFF  }
0xc1: {  	_ =	task.clear_ibuf [dreg:s7], $0x2FFFF;
	_ =	strace $0x9FFFFFFF  }
0xc2: {  	(tm) =	ssettm $0x7FFFFFFF  }
0xc3: {  	_ =	shalt  }
tec
execute0_lowered:
.L_overlay_start_1:
0x0: {  	(tag) =	ssettag $0x1  }
0x1: {  	s3 =	rddreg [dreg:$0x0]  }
0x2: {  	s4 =	rddreg [dreg:$0x1]  }
0x3: {  	s0 =	rddreg [dreg:$0x2];
	s1 =	simm.s32 $0x0;
	s2 =	srdreg.scid  }
0x4: {  	[smem:$0x7FF] =	sst s1;
	s5 =	sand.u32 $0x1, s2;
	s2 =	stileid.u32  }
0x5: {  	s3 =	sadd.s32 $0x1A00, s3;
	s6 =	ssub.s32 $0x2, s5;
	s5 =	sshll.u32 s5, $0x4  }
0x6: {  	_ =	strace $0x80000047;
	s7 =	sshrl.u32 s6, $0x1;
	s8 =	sor.u32 s2, s5  }
0x7: {  	s29 =	ssub.s32 s6, s7;
	s30 =	sshll.u32 s8, $0xB;
	s31 =	sshll.u32 s8, $0x8  }
0x8: {  	s6 =	simm.s32 $0x1;
	s7 =	simm.s32 $0x1100;
	p0 =	sgt.u32 s8, $0x1D  }
0x9: {  	v1 =	vimm.f32 $0.0e+00;
	v2 =	vimm.f32 $1.000000000e+00;
	s8 =	simm.s32 $0x0;
	s4 =	sadd.s32 s4, s31;
	s5 =	smax.u32 s29, $0x1;
	v0 =	vmov s30  }
.LBB2_1:
0xa: {  	[tilespmem:s1], [sflag:$0x1] =	stream.linear.gather [hbm4b:s3+s1], $0x1100, $0x38;
	[tilespmem:$0x1980] =	vst v63  }
0xb: {  	_ =	swait.ge [sflag:s6], $0x1100  }
0xc: {  	[sflag:s6] =	ssyncset.done $0x0  }
0xd: {  	s9 =	simm.s32 $0x1140;
	[sflag:s6] =	ssyncadd.s32 $0xFFFFEF00  }
0xe: {  	[tilespmem:s9+$0xFFFFFFC0] =	vst v1  }
0xf: {  	[tilespmem:s9+$0x30] =	vst v1  }
0x10: {  	[tilespmem:s9+$0x20] =	vst v1  }
0x11: {  	[tilespmem:s9+$0x10] =	vst v1  }
0x12: {  	[tilespmem:s9+$0x0] =	vst v1  }
0x13: {  	[tilespmem:s9+$0xFFFFFFF0] =	vst v1  }
0x14: {  	s10 =	simm.s32 $0x0;
	[tilespmem:s9+$0xFFFFFFE0] =	vst v1  }
.LBB2_2:
0x15: {  	s10 =	sadd.s32 $0x8, s10;
	[tilespmem:s9+$0xFFFFFFD0] =	vst v1;
	s9 =	sadd.s32 $0x80, s9  }
0x16: {  	[tilespmem:s9+$0xFFFFFFC0] =	vst v1;
	p1 =	slt.u32 s10, $0x78  }
0x17: {  	[tilespmem:s9+$0x30] =	vst v1  }
.Ltmp0:
0x18: {  	[tilespmem:s9+$0x20] =	vst v1;
	(pc) =	sbr.rel @p1 .LBB2_2-.Ltmp0, $4  }
0x19: {  	[tilespmem:s9+$0x10] =	vst v1  }
0x1a: {  	[tilespmem:s9+$0x0] =	vst v1  }
0x1b: {  	[tilespmem:s9+$0xFFFFFFF0] =	vst v1  }
0x1c: {  	[tilespmem:s9+$0xFFFFFFE0] =	vst v1  }
0x1d: {  	[tilespmem:s9+$0xFFFFFFD0] =	vst v1  }
0x1e: {  	s9 =	simm.s32 $0xFFFFFFFC;
	s10 =	simm.s32 $0x20;
	[tilespmem:$0x1900] =	vst v1  }
.LBB2_4:
0x1f: {  	v3 =	vld [tilespmem:s10+$0xFFFFFFE0];
	_ =	sdelay $0x4  }
0x20: {  	v3 =	vsub.s32 v3, v0  }
0x21: {  	v3 =	vmin.u32 v3, $0x800;
	_ =	sdelay $0x4  }
0x22: {  	[tilespmem:v3+s7+$0x0] =	vst.idx.add.f32.msk $0xffff, v2  }
0x23: {  	v3 =	vld [tilespmem:s10+$0xFFFFFFF0];
	_ =	sdelay $0x4  }
0x24: {  	v3 =	vsub.s32 v3, v0  }
0x25: {  	v3 =	vmin.u32 v3, $0x800;
	_ =	sdelay $0x4  }
0x26: {  	[tilespmem:v3+s7+$0x0] =	vst.idx.add.f32.msk $0xffff, v2  }
0x27: {  	v3 =	vld [tilespmem:s10+$0x0];
	_ =	sdelay $0x4  }
0x28: {  	v3 =	vsub.s32 v3, v0  }
0x29: {  	v3 =	vmin.u32 v3, $0x800;
	_ =	sdelay $0x4  }
0x2a: {  	[tilespmem:v3+s7+$0x0] =	vst.idx.add.f32.msk $0xffff, v2  }
0x2b: {  	v3 =	vld [tilespmem:s10+$0x10];
	_ =	sdelay $0x4  }
0x2c: {  	s9 =	sadd.s32 $0x4, s9;
	v3 =	vsub.s32 v3, v0  }
0x2d: {  	p1 =	slt.u32 s9, $0x10C;
	v3 =	vmin.u32 v3, $0x800  }
.Ltmp1:
0x2e: {  	_ = 	snop;
	(pc) =	sbr.rel @p1 .LBB2_4-.Ltmp1, $2  }
0x2f: {  	_ =	sdelay $0x2  }
0x30: {  	s10 =	sadd.s32 $0x40, s10;
	[tilespmem:v3+s7+$0x0] =	vst.idx.add.f32.msk $0xffff, v2  }
0x31: {  	s9 =	simm.s32 @!p0 $0x0;
	s10 =	simm.s32 @!p0 $0x1100;
	s8 =	sadd.s32 $0x1, s8  }
0x32: {  	[hbm4b:s4+s9] =	stream.linear.scatter @!p0 [tilespmem:s10], [sflag:$0x1], $0x800, $0x38;
	[tilespmem:$0x1980] =	vst v63  }
0x33: {  	p1 =	sne.s32 s8, s5  }
.Ltmp2:
0x34: {  	_ = 	snop;
	(pc) =	sbr.rel @p1 .LBB2_1-.Ltmp2, $4  }
0x35: {  	s9 =	simm.s32 @!p0 $0x1  }
0x36: {  	_ =	swait.ge @!p0 [sflag:s9], $0x800  }
0x37: {  	[sflag:s9] =	ssyncset.done @!p0 $0x0  }
0x38: {  	[sflag:s9] =	ssyncadd.s32 @!p0 $0xFFFFF800  }
0x39: {  	_ =	sfence.sel $0x180000  }
0x3a: {  	[bflag:$0x0] =	sbarrier.arrive $0xFFFF  }
0x3b: {  	p0 =	sne.s32 s2, $0x0;
	_ =	strace $0x90000047  }
0x3c: {  	s0 =	sadd.s32 @!p0 $0x100000, s0;
	[bflag:$0x2] =	sbarrier.arrive $0xFFFF  }
0x3d: {  	[sflag:s0] =	ssyncadd.tile.s32 @!p0 $0x1;
	_ =	shalt  }
.Lfunc_end2:
_tile_overlayer_lowered:
.L_overlay_start_2:
0x3e: {  	(tag) =	ssettag $0x2  }
0x3f: {  	s0 =	rddreg [dreg:$0x0];
	s2 =	stileid.u32  }
0x40: {  	s1 =	rddreg [dreg:$0x1];
	p0 =	sne.s32 s2, $0x0  }
0x41: {  	s3 =	rddreg [dreg:$0x2];
	[bflag:$0x3] =	sbarrier.arrive $0xFFFF;
	s2 =	simm.s32 @!p0 $0x1C01  }
0x42: {  	[timem:s3], [sflag:s2] =	dma.local @!p0 [hbm:s0], s1  }
0x43: {  	s0 =	simm.s32 @!p0 $0x1  }
0x44: {  	_ =	swait.ge @!p0 [sflag:s0], s1  }
0x45: {  	s1 =	ssub.s32 @!p0 $0x0, s1;
	[sflag:s0] =	ssyncset.done @!p0 $0x0  }
0x46: {  	[sflag:s0] =	ssyncadd.s32 @!p0 s1  }
0x47: {  	[bflag:$0x3] =	sbarrier.arrive $0xFFFF  }
0x48: {  	_ =	shalt  }

</sc_bundles>
